<compile_context>
chip_gen: v7x
topology: tpu7x:2x2x1
jax: 0.10.2.dev20260603
libtpu: 0.0.44.dev20260713+nightly
codegen_flags: <defaults>
</compile_context>

<pallas_src>
import functools

import jax
import jax.numpy as jnp
from jax import lax
from jax.experimental import pallas as pl
from jax.experimental.pallas import tpu as pltpu
from jax.experimental.pallas import tpu_sc as plsc

N_NODES = 10000
D_IN = 128
D_H = 128
N_EDGES = 320000

NC, NS, L = 2, 16, 16
NW = NC * NS
BATCH = 128
EPW = 10240
NBATCH = EPW // BATCH
PAD_E = NW * EPW - N_EDGES
NP2 = 10240
NACC = 10240
RPT = NACC // NS
CH = 40
TOTB = NW * EPW // BATCH
HIST = 10240

BM = 1024


def _gates_body(x_ref, h_ref, wx_ref, wh_ref, wrh_ref, bxr_ref, bxz_ref,
                bl_ref, y_ref, root_ref, z_ref):
    xb = x_ref[...]
    hb = h_ref[...]
    a = jnp.dot(xb, wx_ref[...], preferred_element_type=jnp.float32)
    b = jnp.dot(hb, wh_ref[...], preferred_element_type=jnp.float32)
    r = jax.nn.sigmoid(a[:, 0:128] + b[:, 0:128] + bxr_ref[...])
    z = jax.nn.sigmoid(a[:, 128:256] + b[:, 128:256] + bxz_ref[...])
    rh = r * hb
    c = jnp.dot(rh, wrh_ref[...], preferred_element_type=jnp.float32)
    y_ref[...] = a[:, 256:384] + c[:, 0:128]
    root_ref[...] = a[:, 384:512] + c[:, 128:256] + bl_ref[...]
    z_ref[...] = z


def _gates(x, h, wx, wh, wrh, bxr, bxz, bl):
    grid = (NP2 // BM,)
    row = lambda i: (i, 0)
    whole = lambda i: (0, 0)
    return pl.pallas_call(
        _gates_body,
        grid=grid,
        in_specs=[
            pl.BlockSpec((BM, D_IN), row),
            pl.BlockSpec((BM, D_H), row),
            pl.BlockSpec((D_IN, 512), whole),
            pl.BlockSpec((D_H, 256), whole),
            pl.BlockSpec((D_H, 256), whole),
            pl.BlockSpec((1, D_H), whole),
            pl.BlockSpec((1, D_H), whole),
            pl.BlockSpec((1, D_H), whole),
        ],
        out_specs=[
            pl.BlockSpec((BM, D_H), row),
            pl.BlockSpec((BM, D_H), row),
            pl.BlockSpec((BM, D_H), row),
        ],
        out_shape=[
            jax.ShapeDtypeStruct((NP2, D_H), jnp.float32),
            jax.ShapeDtypeStruct((NP2, D_H), jnp.float32),
            jax.ShapeDtypeStruct((NP2, D_H), jnp.float32),
        ],
    )(x, h, wx, wh, wrh, bxr, bxz, bl)


NBUF = 2


def _agg_body(y_hbm, src_hbm, dst_hbm, zacc_hbm,
              acc_out,
              src_v, dst_v, rows0, rows1, acc_sh,
              sem0, sem1):
    c = lax.axis_index("c")
    s = lax.axis_index("s")
    w = c * NS + s
    sems = (sem0, sem1)
    rows = (rows0, rows1)

    pltpu.sync_copy(zacc_hbm.at[pl.ds(s * RPT, RPT)],
                    acc_sh.at[pl.ds(s * RPT, RPT)])
    plsc.subcore_barrier()

    base_b = w * NBATCH

    def chunk_body(chunk, carry):
        cb = pl.multiple_of(base_b + chunk * CH, 8)
        pltpu.sync_copy(src_hbm.at[pl.ds(cb, CH)], src_v)
        pltpu.sync_copy(dst_hbm.at[pl.ds(cb, CH)], dst_v)

        for b in range(NBUF):
            pltpu.async_copy(y_hbm.at[src_v.at[b]], rows[b], sems[b])

        def step(t, carry2):
            for b in range(NBUF):
                j = t * NBUF + b
                pltpu.make_async_copy(y_hbm.at[src_v.at[j]],
                                      rows[b], sems[b]).wait()
                pltpu.sync_copy(rows[b], acc_sh.at[dst_v.at[j]], add=True)
                jn = j + NBUF

                @pl.when(jn < CH)
                def _():
                    pltpu.async_copy(y_hbm.at[src_v.at[jn]],
                                     rows[b], sems[b])
            return carry2

        lax.fori_loop(0, CH // NBUF, step, 0)
        return carry

    lax.fori_loop(0, NBATCH // CH, chunk_body, 0)
    plsc.subcore_barrier()

    pltpu.sync_copy(acc_sh.at[pl.ds(s * RPT, RPT)],
                    acc_out.at[c, pl.ds(s * RPT, RPT)])


@functools.cache
def _agg():
    return pl.kernel(
        _agg_body,
        out_type=jax.ShapeDtypeStruct((NC, NACC, D_H), jnp.float32),
        mesh=plsc.VectorSubcoreMesh(core_axis_name="c", subcore_axis_name="s",
                                    num_cores=NC, num_subcores=NS),
        scratch_types=[
            pltpu.VMEM((CH, BATCH), jnp.int32),
            pltpu.VMEM((CH, BATCH), jnp.int32),
            pltpu.VMEM((BATCH, D_H), jnp.float32),
            pltpu.VMEM((BATCH, D_H), jnp.float32),
            pltpu.VMEM_SHARED((NACC, D_H), jnp.float32),
            pltpu.SemaphoreType.DMA,
            pltpu.SemaphoreType.DMA,
        ],
    )


def _cnt_body(dst_hbm, zhist_hbm,
              cnt_out,
              dst_v, hist_v):
    c = lax.axis_index("c")
    s = lax.axis_index("s")
    w = c * NS + s

    pltpu.sync_copy(zhist_hbm, hist_v)
    pltpu.sync_copy(dst_hbm.at[pl.ds(w * NBATCH, NBATCH)], dst_v)

    ones16 = jnp.ones((L,), jnp.float32)

    def body(j, carry):
        for g in range(BATCH // L):
            d16 = dst_v[j, pl.ds(g * L, L)]
            plsc.addupdate_scatter(hist_v, [d16], ones16)
        return carry

    lax.fori_loop(0, NBATCH, body, 0)

    pltpu.sync_copy(hist_v, cnt_out.at[w])


@functools.cache
def _cnt():
    return pl.kernel(
        _cnt_body,
        out_type=jax.ShapeDtypeStruct((NW, HIST), jnp.float32),
        mesh=plsc.VectorSubcoreMesh(core_axis_name="c", subcore_axis_name="s",
                                    num_cores=NC, num_subcores=NS),
        scratch_types=[
            pltpu.VMEM((NBATCH, BATCH), jnp.int32),
            pltpu.VMEM((HIST,), jnp.float32),
        ],
        compiler_params=pltpu.CompilerParams(needs_layout_passes=False),
    )


def _final_body(z_ref, h_ref, root_ref, acc_ref, cnt_ref, out_ref):
    z = z_ref[...]
    cnt8 = jnp.sum(cnt_ref[...], axis=0)
    i0 = lax.broadcasted_iota(jnp.int32, (BM, 8), 0) // 128
    i1 = lax.broadcasted_iota(jnp.int32, (BM, 8), 1)
    sel = (i0 == i1).astype(jnp.float32)
    t1 = jnp.dot(sel, cnt8, preferred_element_type=jnp.float32)
    j0 = lax.broadcasted_iota(jnp.int32, (BM, 128), 0) % 128
    j1 = lax.broadcasted_iota(jnp.int32, (BM, 128), 1)
    msk = (j0 == j1).astype(jnp.float32)
    cntc = jnp.sum(t1 * msk, axis=1, keepdims=True)
    mean = (acc_ref[0] + acc_ref[1]) / jnp.maximum(cntc, 1.0)
    n = mean + root_ref[...]
    out_ref[...] = (1.0 - z) * n + z * h_ref[...]


def _final(z, h, root, acc, cnt):
    grid = (NP2 // BM,)
    row = lambda i: (i, 0)
    return pl.pallas_call(
        _final_body,
        grid=grid,
        in_specs=[
            pl.BlockSpec((BM, D_H), row),
            pl.BlockSpec((BM, D_H), row),
            pl.BlockSpec((BM, D_H), row),
            pl.BlockSpec((NC, BM, D_H), lambda i: (0, i, 0)),
            pl.BlockSpec((NW, 8, 128), lambda i: (0, i, 0)),
        ],
        out_specs=pl.BlockSpec((BM, D_H), row),
        out_shape=jax.ShapeDtypeStruct((NP2, D_H), jnp.float32),
    )(z, h, root, acc, cnt)


def kernel(x, edge_index, h_prev, Wxr, bxr, Whr, Wxz, bxz, Whz, Wl, bl, Wr):
    ei = edge_index.astype(jnp.int32)
    src = jnp.concatenate([ei[0], jnp.zeros((PAD_E,), jnp.int32)])
    pad_dst = N_NODES + jnp.arange(PAD_E, dtype=jnp.int32) % (NACC - N_NODES)
    dst = jnp.concatenate([ei[1], pad_dst])
    src = src.reshape(TOTB, BATCH)
    dst = dst.reshape(TOTB, BATCH)

    wx = jnp.concatenate([Wxr.T, Wxz.T, Wl[:, :D_IN].T, Wr[:, :D_IN].T], axis=1)
    wh = jnp.concatenate([Whr.T, Whz.T], axis=1)
    wrh = jnp.concatenate([Wl[:, D_IN:].T, Wr[:, D_IN:].T], axis=1)

    xp = jnp.pad(x, ((0, NP2 - N_NODES), (0, 0)))
    hp = jnp.pad(h_prev, ((0, NP2 - N_NODES), (0, 0)))

    y, root, z = _gates(xp, hp, wx, wh, wrh,
                        bxr[None, :], bxz[None, :], bl[None, :])

    zacc = jnp.zeros((NACC, D_H), jnp.float32)
    zhist = jnp.zeros((HIST,), jnp.float32)
    cnt = _cnt()(dst, zhist).reshape(NW, HIST // 128, 128)
    acc = _agg()(y, src, dst, zacc)

    out = _final(z, hp, root, acc, cnt)
    return out[:N_NODES]

# --- scband reference (transcript-rebuilt; emitter-appended) ---
"""Pipeline reference for scband-gcrucell-38147899523553 (READ-ONLY COPY).

The authoritative reference and input builder live on the scoring server;
editing this copy changes nothing except your own understanding.
"""

import jax, jax.numpy as jnp
import numpy as np

N_NODES = 10000
N_EDGES = 320000
D_IN = 128
D_H = 128


def setup_inputs(seed: int = 0) -> dict:
    key = jax.random.key(seed)
    ks = jax.random.split(key, 12)
    x = jax.random.normal(ks[0], (N_NODES, D_IN), dtype=jnp.float32)
    edge_index = jax.random.randint(ks[1], (2, N_EDGES), 0, N_NODES, dtype=jnp.int64 if jax.config.jax_enable_x64 else jnp.int32)
    h_prev = jax.random.normal(ks[2], (N_NODES, D_H), dtype=jnp.float32)
    s = 0.05
    Wxr = jax.random.normal(ks[3], (D_H, D_IN), dtype=jnp.float32) * s
    bxr = jnp.zeros((D_H,), dtype=jnp.float32)
    Whr = jax.random.normal(ks[4], (D_H, D_H), dtype=jnp.float32) * s
    Wxz = jax.random.normal(ks[5], (D_H, D_IN), dtype=jnp.float32) * s
    bxz = jnp.zeros((D_H,), dtype=jnp.float32)
    Whz = jax.random.normal(ks[6], (D_H, D_H), dtype=jnp.float32) * s
    # SAGEConv(in=D_IN+D_H, out=D_H): lin_l acts on aggregated neighbors (with bias), lin_r on root (no bias)
    Wl = jax.random.normal(ks[7], (D_H, D_IN + D_H), dtype=jnp.float32) * s
    bl = jnp.zeros((D_H,), dtype=jnp.float32)
    Wr = jax.random.normal(ks[8], (D_H, D_IN + D_H), dtype=jnp.float32) * s
    return {"x": x, "edge_index": edge_index, "h_prev": h_prev, "Wxr": Wxr, "bxr": bxr, "Whr": Whr, "Wxz": Wxz, "bxz": bxz, "Whz": Whz, "Wl": Wl, "bl": bl, "Wr": Wr}


def _sage_conv(feat, edge_index, Wl, bl, Wr):
    src = edge_index[0]
    dst = edge_index[1]
    msgs = jnp.take(feat, src, axis=0)
    summed = jax.ops.segment_sum(msgs, dst, num_segments=feat.shape[0])
    count = jax.ops.segment_sum(jnp.ones((msgs.shape[0],), dtype=feat.dtype), dst, num_segments=feat.shape[0])
    mean = summed / jnp.maximum(count, 1.0)[:, None]
    # PyG BasicGNN with num_layers=1 and jk=None applies no activation after the last conv
    return mean @ Wl.T + bl + feat @ Wr.T


def reference(x, edge_index, h_prev, Wxr, bxr, Whr, Wxz, bxz, Whz, Wl, bl, Wr):
    r = jax.nn.sigmoid(x @ Wxr.T + bxr + h_prev @ Whr.T)
    z = jax.nn.sigmoid(x @ Wxz.T + bxz + h_prev @ Whz.T)
    cat = jnp.concatenate([x, r * h_prev], axis=-1)
    n = _sage_conv(cat, edge_index, Wl, bl, Wr)
    return (1.0 - z) * n + z * h_prev

if __name__ == "__main__":
    import jax
    _d = setup_inputs()
    print(jax.jit(kernel)(*tuple(_d.values())))

</pallas_src>

<mosaic_0001>
#map = affine_map<(d0, d1) -> (0, 0)>
#map1 = affine_map<(d0, d1) -> (0)>
module attributes {stable_mosaic.version = 14 : i64} {
  func.func @_cnt_body(%arg0: i32, %arg1: i32, %arg2: memref<2560x128xi32, #tpu.memory_space<hbm>>, %arg3: memref<10240xf32, #tpu.memory_space<hbm>>, %arg4: memref<32x10240xf32, #tpu.memory_space<hbm>>, %arg5: memref<80x128xi32, #tpu.memory_space<vmem>>, %arg6: memref<10240xf32, #tpu.memory_space<vmem>>) attributes {dimension_semantics = [#tpu.dimension_semantics<core_parallel>, #tpu.dimension_semantics<subcore_parallel>], iteration_bounds = array<i64: 2, 16>, scalar_prefetch = 0 : i64, scratch_operands = 2 : i64, tpu.core_type = #tpu.core_type<sc_vector_subcore>, window_params = [{transform_indices = #map}, {transform_indices = #map1}, {transform_indices = #map}]} {
    %mul3A = arith.constant 16 : i32
    %mul3A_0 = arith.muli %arg0, %mul3A : i32
    %add3A = arith.addi %mul3A_0, %arg1 : i32
    "tpu.region"() ({
      %run_scoped3A = tpu.sem_alloc : memref<!tpu.dma_semaphore, #tpu.memory_space<semaphore_mem>>
      tpu.enqueue_dma source(%arg3 : memref<10240xf32, #tpu.memory_space<hbm>>) target(%arg6 : memref<10240xf32, #tpu.memory_space<vmem>>) target_semaphore(%run_scoped3A : memref<!tpu.dma_semaphore, #tpu.memory_space<semaphore_mem>>)
      tpu.wait_dma2 semaphore(%run_scoped3A : memref<!tpu.dma_semaphore, #tpu.memory_space<semaphore_mem>>) src(%arg3 : memref<10240xf32, #tpu.memory_space<hbm>>) dst(%arg6 : memref<10240xf32, #tpu.memory_space<vmem>>)
      tpu.yield
    }) : () -> ()
    %mul3A_1 = arith.constant 80 : i32
    %mul3A_2 = arith.muli %add3A, %mul3A_1 : i32
    "tpu.region"() ({
      %run_scoped3A = tpu.sem_alloc : memref<!tpu.dma_semaphore, #tpu.memory_space<semaphore_mem>>
      %dma_start3A = arith.constant 0 : i32
      %dma_start3A_9 = tpu.memref_slice %arg2[%mul3A_2, %dma_start3A] : memref<2560x128xi32, #tpu.memory_space<hbm>> -> memref<80x128xi32, #tpu.memory_space<hbm>>
      %dma_start3A_10 = arith.constant 0 : i32
      %dma_start3A_11 = tpu.memref_slice %arg2[%mul3A_2, %dma_start3A_10] : memref<2560x128xi32, #tpu.memory_space<hbm>> -> memref<80x128xi32, #tpu.memory_space<hbm>>
      tpu.enqueue_dma source(%dma_start3A_11 : memref<80x128xi32, #tpu.memory_space<hbm>>) target(%arg5 : memref<80x128xi32, #tpu.memory_space<vmem>>) target_semaphore(%run_scoped3A : memref<!tpu.dma_semaphore, #tpu.memory_space<semaphore_mem>>)
      %dma_wait3A = arith.constant 0 : i32
      %dma_wait3A_12 = tpu.memref_slice %arg2[%mul3A_2, %dma_wait3A] : memref<2560x128xi32, #tpu.memory_space<hbm>> -> memref<80x128xi32, #tpu.memory_space<hbm>>
      %dma_wait3A_13 = arith.constant 0 : i32
      %dma_wait3A_14 = tpu.memref_slice %arg2[%mul3A_2, %dma_wait3A_13] : memref<2560x128xi32, #tpu.memory_space<hbm>> -> memref<80x128xi32, #tpu.memory_space<hbm>>
      tpu.wait_dma2 semaphore(%run_scoped3A : memref<!tpu.dma_semaphore, #tpu.memory_space<semaphore_mem>>) src(%dma_wait3A_14 : memref<80x128xi32, #tpu.memory_space<hbm>>) dst(%arg5 : memref<80x128xi32, #tpu.memory_space<vmem>>)
      tpu.yield
    }) : () -> ()
    %broadcast_in_dim3A = arith.constant 1.000000e+00 : f32
    %broadcast_in_dim3A_3 = vector.broadcast %broadcast_in_dim3A : f32 to vector<16xf32>
    %scan3A = arith.constant 0 : i32
    %scan3A_4 = arith.constant 0 : i32
    %scan3A_5 = arith.constant 80 : i32
    %scan3A_6 = arith.addi %scan3A_4, %scan3A_5 : i32
    %scan3A_7 = arith.constant 1 : i32
    scf.for %scan3A_9 = %scan3A_4 to %scan3A_6 step %scan3A_7  : i32 {
      %get3A = arith.index_cast %scan3A_9 : i32 to index
      %get3A_10 = arith.constant 0 : index
      %get3A_11 = tpu.vector_load %arg5[%get3A, %get3A_10] {strides = array<i32>} : memref<80x128xi32, #tpu.memory_space<vmem>>, vector<16xi32>,
      tpu.vector_store_idx %arg6[%get3A_11], %broadcast_in_dim3A_3 {add = true} : memref<10240xf32, #tpu.memory_space<vmem>>[vector<16xi32>], vector<16xf32>,
      %get3A_12 = arith.index_cast %scan3A_9 : i32 to index
      %get3A_13 = arith.constant 16 : index
      %get3A_14 = tpu.vector_load %arg5[%get3A_12, %get3A_13] {strides = array<i32>} : memref<80x128xi32, #tpu.memory_space<vmem>>, vector<16xi32>,
      tpu.vector_store_idx %arg6[%get3A_14], %broadcast_in_dim3A_3 {add = true} : memref<10240xf32, #tpu.memory_space<vmem>>[vector<16xi32>], vector<16xf32>,
      %get3A_15 = arith.index_cast %scan3A_9 : i32 to index
      %get3A_16 = arith.constant 32 : index
      %get3A_17 = tpu.vector_load %arg5[%get3A_15, %get3A_16] {strides = array<i32>} : memref<80x128xi32, #tpu.memory_space<vmem>>, vector<16xi32>,
      tpu.vector_store_idx %arg6[%get3A_17], %broadcast_in_dim3A_3 {add = true} : memref<10240xf32, #tpu.memory_space<vmem>>[vector<16xi32>], vector<16xf32>,
      %get3A_18 = arith.index_cast %scan3A_9 : i32 to index
      %get3A_19 = arith.constant 48 : index
      %get3A_20 = tpu.vector_load %arg5[%get3A_18, %get3A_19] {strides = array<i32>} : memref<80x128xi32, #tpu.memory_space<vmem>>, vector<16xi32>,
      tpu.vector_store_idx %arg6[%get3A_20], %broadcast_in_dim3A_3 {add = true} : memref<10240xf32, #tpu.memory_space<vmem>>[vector<16xi32>], vector<16xf32>,
      %get3A_21 = arith.index_cast %scan3A_9 : i32 to index
      %get3A_22 = arith.constant 64 : index
      %get3A_23 = tpu.vector_load %arg5[%get3A_21, %get3A_22] {strides = array<i32>} : memref<80x128xi32, #tpu.memory_space<vmem>>, vector<16xi32>,
      tpu.vector_store_idx %arg6[%get3A_23], %broadcast_in_dim3A_3 {add = true} : memref<10240xf32, #tpu.memory_space<vmem>>[vector<16xi32>], vector<16xf32>,
      %get3A_24 = arith.index_cast %scan3A_9 : i32 to index
      %get3A_25 = arith.constant 80 : index
      %get3A_26 = tpu.vector_load %arg5[%get3A_24, %get3A_25] {strides = array<i32>} : memref<80x128xi32, #tpu.memory_space<vmem>>, vector<16xi32>,
      tpu.vector_store_idx %arg6[%get3A_26], %broadcast_in_dim3A_3 {add = true} : memref<10240xf32, #tpu.memory_space<vmem>>[vector<16xi32>], vector<16xf32>,
      %get3A_27 = arith.index_cast %scan3A_9 : i32 to index
      %get3A_28 = arith.constant 96 : index
      %get3A_29 = tpu.vector_load %arg5[%get3A_27, %get3A_28] {strides = array<i32>} : memref<80x128xi32, #tpu.memory_space<vmem>>, vector<16xi32>,
      tpu.vector_store_idx %arg6[%get3A_29], %broadcast_in_dim3A_3 {add = true} : memref<10240xf32, #tpu.memory_space<vmem>>[vector<16xi32>], vector<16xf32>,
      %get3A_30 = arith.index_cast %scan3A_9 : i32 to index
      %get3A_31 = arith.constant 112 : index
      %get3A_32 = tpu.vector_load %arg5[%get3A_30, %get3A_31] {strides = array<i32>} : memref<80x128xi32, #tpu.memory_space<vmem>>, vector<16xi32>,
      tpu.vector_store_idx %arg6[%get3A_32], %broadcast_in_dim3A_3 {add = true} : memref<10240xf32, #tpu.memory_space<vmem>>[vector<16xi32>], vector<16xf32>,
    }
    %scan3A_8 = arith.constant 80 : i32
    "tpu.region"() ({
      %run_scoped3A = tpu.sem_alloc : memref<!tpu.dma_semaphore, #tpu.memory_space<semaphore_mem>>
      %dma_start3A = arith.constant 0 : i32
      %dma_start3A_9 = tpu.memref_slice %arg4[%add3A, %dma_start3A] : memref<32x10240xf32, #tpu.memory_space<hbm>> -> memref<1x10240xf32, #tpu.memory_space<hbm>>
      %dma_start3A_10 = tpu.memref_squeeze %dma_start3A_9 : memref<1x10240xf32, #tpu.memory_space<hbm>> -> memref<10240xf32, #tpu.memory_space<hbm>>
      %dma_start3A_11 = arith.constant 0 : i32
      %dma_start3A_12 = tpu.memref_slice %arg4[%add3A, %dma_start3A_11] : memref<32x10240xf32, #tpu.memory_space<hbm>> -> memref<1x10240xf32, #tpu.memory_space<hbm>>
      %dma_start3A_13 = tpu.memref_squeeze %dma_start3A_12 : memref<1x10240xf32, #tpu.memory_space<hbm>> -> memref<10240xf32, #tpu.memory_space<hbm>>
      tpu.enqueue_dma source(%arg6 : memref<10240xf32, #tpu.memory_space<vmem>>) target(%dma_start3A_13 : memref<10240xf32, #tpu.memory_space<hbm>>) target_semaphore(%run_scoped3A : memref<!tpu.dma_semaphore, #tpu.memory_space<semaphore_mem>>)
      %dma_wait3A = arith.constant 0 : i32
      %dma_wait3A_14 = tpu.memref_slice %arg4[%add3A, %dma_wait3A] : memref<32x10240xf32, #tpu.memory_space<hbm>> -> memref<1x10240xf32, #tpu.memory_space<hbm>>
      %dma_wait3A_15 = tpu.memref_squeeze %dma_wait3A_14 : memref<1x10240xf32, #tpu.memory_space<hbm>> -> memref<10240xf32, #tpu.memory_space<hbm>>
      %dma_wait3A_16 = arith.constant 0 : i32
      %dma_wait3A_17 = tpu.memref_slice %arg4[%add3A, %dma_wait3A_16] : memref<32x10240xf32, #tpu.memory_space<hbm>> -> memref<1x10240xf32, #tpu.memory_space<hbm>>
      %dma_wait3A_18 = tpu.memref_squeeze %dma_wait3A_17 : memref<1x10240xf32, #tpu.memory_space<hbm>> -> memref<10240xf32, #tpu.memory_space<hbm>>
      tpu.wait_dma2 semaphore(%run_scoped3A : memref<!tpu.dma_semaphore, #tpu.memory_space<semaphore_mem>>) src(%arg6 : memref<10240xf32, #tpu.memory_space<vmem>>) dst(%dma_wait3A_18 : memref<10240xf32, #tpu.memory_space<hbm>>)
      tpu.yield
    }) : () -> ()
    return
  }
}

#map = affine_map<(d0, d1) -> (0, 0)>
#map1 = affine_map<(d0, d1) -> (0, 0, 0)>
module attributes {stable_mosaic.version = 14 : i64} {
  func.func @_agg_body(%arg0: i32, %arg1: i32, %arg2: memref<10240x128xf32, #tpu.memory_space<hbm>>, %arg3: memref<2560x128xi32, #tpu.memory_space<hbm>>, %arg4: memref<2560x128xi32, #tpu.memory_space<hbm>>, %arg5: memref<10240x128xf32, #tpu.memory_space<hbm>>, %arg6: memref<2x10240x128xf32, #tpu.memory_space<hbm>>, %arg7: memref<40x128xi32, #tpu.memory_space<vmem>>, %arg8: memref<40x128xi32, #tpu.memory_space<vmem>>, %arg9: memref<128x128xf32, #tpu.memory_space<vmem>>, %arg10: memref<128x128xf32, #tpu.memory_space<vmem>>, %arg11: memref<10240x128xf32, #tpu.memory_space<vmem_shared>>, %arg12: memref<!tpu.dma_semaphore, #tpu.memory_space<semaphore_mem>>, %arg13: memref<!tpu.dma_semaphore, #tpu.memory_space<semaphore_mem>>) attributes {dimension_semantics = [#tpu.dimension_semantics<core_parallel>, #tpu.dimension_semantics<subcore_parallel>], iteration_bounds = array<i64: 2, 16>, scalar_prefetch = 0 : i64, scratch_operands = 7 : i64, tpu.core_type = #tpu.core_type<sc_vector_subcore>, window_params = [{transform_indices = #map}, {transform_indices = #map}, {transform_indices = #map}, {transform_indices = #map}, {transform_indices = #map1}]} {
    %mul3A = arith.constant 16 : i32
    %mul3A_0 = arith.muli %arg0, %mul3A : i32
    %add3A = arith.addi %mul3A_0, %arg1 : i32
    %mul3A_1 = arith.constant 640 : i32
    %mul3A_2 = arith.muli %arg1, %mul3A_1 : i32
    %mul3A_3 = arith.constant 640 : i32
    %mul3A_4 = arith.muli %arg1, %mul3A_3 : i32
    "tpu.region"() ({
      %run_scoped3A = tpu.sem_alloc : memref<!tpu.dma_semaphore, #tpu.memory_space<semaphore_mem>>
      %dma_start3A = arith.constant 0 : i32
      %dma_start3A_17 = tpu.memref_slice %arg11[%mul3A_4, %dma_start3A] : memref<10240x128xf32, #tpu.memory_space<vmem_shared>> -> memref<640x128xf32, #tpu.memory_space<vmem_shared>>
      %dma_start3A_18 = arith.constant 0 : i32
      %dma_start3A_19 = tpu.memref_slice %arg5[%mul3A_2, %dma_start3A_18] : memref<10240x128xf32, #tpu.memory_space<hbm>> -> memref<640x128xf32, #tpu.memory_space<hbm>>
      tpu.enqueue_dma source(%dma_start3A_19 : memref<640x128xf32, #tpu.memory_space<hbm>>) target(%dma_start3A_17 : memref<640x128xf32, #tpu.memory_space<vmem_shared>>) target_semaphore(%run_scoped3A : memref<!tpu.dma_semaphore, #tpu.memory_space<semaphore_mem>>)
      %dma_wait3A = arith.constant 0 : i32
      %dma_wait3A_20 = tpu.memref_slice %arg11[%mul3A_4, %dma_wait3A] : memref<10240x128xf32, #tpu.memory_space<vmem_shared>> -> memref<640x128xf32, #tpu.memory_space<vmem_shared>>
      %dma_wait3A_21 = arith.constant 0 : i32
      %dma_wait3A_22 = tpu.memref_slice %arg5[%mul3A_2, %dma_wait3A_21] : memref<10240x128xf32, #tpu.memory_space<hbm>> -> memref<640x128xf32, #tpu.memory_space<hbm>>
      tpu.wait_dma2 semaphore(%run_scoped3A : memref<!tpu.dma_semaphore, #tpu.memory_space<semaphore_mem>>) src(%dma_wait3A_22 : memref<640x128xf32, #tpu.memory_space<hbm>>) dst(%dma_wait3A_20 : memref<640x128xf32, #tpu.memory_space<vmem_shared>>)
      tpu.yield
    }) : () -> ()
    %barrier3A = arith.constant 0 : index
    tpu.barrier barrier_id(%barrier3A)
    %mul3A_5 = arith.constant 80 : i32
    %mul3A_6 = arith.muli %add3A, %mul3A_5 : i32
    %scan3A = arith.constant 0 : i32
    %scan3A_7 = arith.constant 0 : i32
    %scan3A_8 = arith.constant 2 : i32
    %scan3A_9 = arith.addi %scan3A_7, %scan3A_8 : i32
    %scan3A_10 = arith.constant 1 : i32
    scf.for %scan3A_17 = %scan3A_7 to %scan3A_9 step %scan3A_10  : i32 {
      %mul3A_18 = arith.constant 40 : i32
      %mul3A_19 = arith.muli %scan3A_17, %mul3A_18 : i32
      %add3A_20 = arith.addi %mul3A_6, %mul3A_19 : i32
      %multiple_of3A = tpu.assume_multiple %add3A_20, 8 : i32
      "tpu.region"() ({
        %run_scoped3A = tpu.sem_alloc : memref<!tpu.dma_semaphore, #tpu.memory_space<semaphore_mem>>
        %dma_start3A_40 = arith.constant 0 : i32
        %dma_start3A_41 = tpu.memref_slice %arg3[%multiple_of3A, %dma_start3A_40] : memref<2560x128xi32, #tpu.memory_space<hbm>> -> memref<40x128xi32, #tpu.memory_space<hbm>>
        %dma_start3A_42 = arith.constant 0 : i32
        %dma_start3A_43 = tpu.memref_slice %arg3[%multiple_of3A, %dma_start3A_42] : memref<2560x128xi32, #tpu.memory_space<hbm>> -> memref<40x128xi32, #tpu.memory_space<hbm>>
        tpu.enqueue_dma source(%dma_start3A_43 : memref<40x128xi32, #tpu.memory_space<hbm>>) target(%arg7 : memref<40x128xi32, #tpu.memory_space<vmem>>) target_semaphore(%run_scoped3A : memref<!tpu.dma_semaphore, #tpu.memory_space<semaphore_mem>>)
        %dma_wait3A = arith.constant 0 : i32
        %dma_wait3A_44 = tpu.memref_slice %arg3[%multiple_of3A, %dma_wait3A] : memref<2560x128xi32, #tpu.memory_space<hbm>> -> memref<40x128xi32, #tpu.memory_space<hbm>>
        %dma_wait3A_45 = arith.constant 0 : i32
        %dma_wait3A_46 = tpu.memref_slice %arg3[%multiple_of3A, %dma_wait3A_45] : memref<2560x128xi32, #tpu.memory_space<hbm>> -> memref<40x128xi32, #tpu.memory_space<hbm>>
        tpu.wait_dma2 semaphore(%run_scoped3A : memref<!tpu.dma_semaphore, #tpu.memory_space<semaphore_mem>>) src(%dma_wait3A_46 : memref<40x128xi32, #tpu.memory_space<hbm>>) dst(%arg7 : memref<40x128xi32, #tpu.memory_space<vmem>>)
        tpu.yield
      }) : () -> ()
      "tpu.region"() ({
        %run_scoped3A = tpu.sem_alloc : memref<!tpu.dma_semaphore, #tpu.memory_space<semaphore_mem>>
        %dma_start3A_40 = arith.constant 0 : i32
        %dma_start3A_41 = tpu.memref_slice %arg4[%multiple_of3A, %dma_start3A_40] : memref<2560x128xi32, #tpu.memory_space<hbm>> -> memref<40x128xi32, #tpu.memory_space<hbm>>
        %dma_start3A_42 = arith.constant 0 : i32
        %dma_start3A_43 = tpu.memref_slice %arg4[%multiple_of3A, %dma_start3A_42] : memref<2560x128xi32, #tpu.memory_space<hbm>> -> memref<40x128xi32, #tpu.memory_space<hbm>>
        tpu.enqueue_dma source(%dma_start3A_43 : memref<40x128xi32, #tpu.memory_space<hbm>>) target(%arg8 : memref<40x128xi32, #tpu.memory_space<vmem>>) target_semaphore(%run_scoped3A : memref<!tpu.dma_semaphore, #tpu.memory_space<semaphore_mem>>)
        %dma_wait3A = arith.constant 0 : i32
        %dma_wait3A_44 = tpu.memref_slice %arg4[%multiple_of3A, %dma_wait3A] : memref<2560x128xi32, #tpu.memory_space<hbm>> -> memref<40x128xi32, #tpu.memory_space<hbm>>
        %dma_wait3A_45 = arith.constant 0 : i32
        %dma_wait3A_46 = tpu.memref_slice %arg4[%multiple_of3A, %dma_wait3A_45] : memref<2560x128xi32, #tpu.memory_space<hbm>> -> memref<40x128xi32, #tpu.memory_space<hbm>>
        tpu.wait_dma2 semaphore(%run_scoped3A : memref<!tpu.dma_semaphore, #tpu.memory_space<semaphore_mem>>) src(%dma_wait3A_46 : memref<40x128xi32, #tpu.memory_space<hbm>>) dst(%arg8 : memref<40x128xi32, #tpu.memory_space<vmem>>)
        tpu.yield
      }) : () -> ()
      %dma_start3A = arith.constant 0 : i32
      %dma_start3A_21 = arith.constant 0 : i32
      %dma_start3A_22 = tpu.memref_slice %arg7[%dma_start3A, %dma_start3A_21] : memref<40x128xi32, #tpu.memory_space<vmem>> -> memref<1x128xi32, #tpu.memory_space<vmem>>
      %dma_start3A_23 = tpu.memref_squeeze %dma_start3A_22 : memref<1x128xi32, #tpu.memory_space<vmem>> -> memref<128xi32, #tpu.memory_space<vmem>>
      %dma_start3A_24 = arith.constant 0 : i32
      %dma_start3A_25 = arith.constant 0 : i32
      %dma_start3A_26 = tpu.memref_slice %arg2[%dma_start3A_24, %dma_start3A_25] : memref<10240x128xf32, #tpu.memory_space<hbm>> -> memref<10240x128xf32, #tpu.memory_space<hbm>>
      tpu.enqueue_indirect_dma source(%dma_start3A_26 : memref<10240x128xf32, #tpu.memory_space<hbm>>) target(%arg9 : memref<128x128xf32, #tpu.memory_space<vmem>>) offsets(%dma_start3A_23 : memref<128xi32, #tpu.memory_space<vmem>>) semaphore(%arg12 : memref<!tpu.dma_semaphore, #tpu.memory_space<semaphore_mem>>)
      %dma_start3A_27 = arith.constant 1 : i32
      %dma_start3A_28 = arith.constant 0 : i32
      %dma_start3A_29 = tpu.memref_slice %arg7[%dma_start3A_27, %dma_start3A_28] : memref<40x128xi32, #tpu.memory_space<vmem>> -> memref<1x128xi32, #tpu.memory_space<vmem>>
      %dma_start3A_30 = tpu.memref_squeeze %dma_start3A_29 : memref<1x128xi32, #tpu.memory_space<vmem>> -> memref<128xi32, #tpu.memory_space<vmem>>
      %dma_start3A_31 = arith.constant 0 : i32
      %dma_start3A_32 = arith.constant 0 : i32
      %dma_start3A_33 = tpu.memref_slice %arg2[%dma_start3A_31, %dma_start3A_32] : memref<10240x128xf32, #tpu.memory_space<hbm>> -> memref<10240x128xf32, #tpu.memory_space<hbm>>
      tpu.enqueue_indirect_dma source(%dma_start3A_33 : memref<10240x128xf32, #tpu.memory_space<hbm>>) target(%arg10 : memref<128x128xf32, #tpu.memory_space<vmem>>) offsets(%dma_start3A_30 : memref<128xi32, #tpu.memory_space<vmem>>) semaphore(%arg13 : memref<!tpu.dma_semaphore, #tpu.memory_space<semaphore_mem>>)
      %scan3A_34 = arith.constant 0 : i32
      %scan3A_35 = arith.constant 0 : i32
      %scan3A_36 = arith.constant 20 : i32
      %scan3A_37 = arith.addi %scan3A_35, %scan3A_36 : i32
      %scan3A_38 = arith.constant 1 : i32
      scf.for %scan3A_40 = %scan3A_35 to %scan3A_37 step %scan3A_38  : i32 {
        %mul3A_41 = arith.constant 2 : i32
        %mul3A_42 = arith.muli %scan3A_40, %mul3A_41 : i32
        %add3A_43 = arith.constant 0 : i32
        %add3A_44 = arith.addi %mul3A_42, %add3A_43 : i32
        %dma_wait3A = arith.constant 0 : i32
        %dma_wait3A_45 = tpu.memref_slice %arg7[%add3A_44, %dma_wait3A] : memref<40x128xi32, #tpu.memory_space<vmem>> -> memref<1x128xi32, #tpu.memory_space<vmem>>
        %dma_wait3A_46 = tpu.memref_squeeze %dma_wait3A_45 : memref<1x128xi32, #tpu.memory_space<vmem>> -> memref<128xi32, #tpu.memory_space<vmem>>
        %dma_wait3A_47 = arith.constant 0 : i32
        %dma_wait3A_48 = arith.constant 0 : i32
        %dma_wait3A_49 = tpu.memref_slice %arg2[%dma_wait3A_47, %dma_wait3A_48] : memref<10240x128xf32, #tpu.memory_space<hbm>> -> memref<10240x128xf32, #tpu.memory_space<hbm>>
        tpu.wait_indirect_dma semaphore(%arg12 : memref<!tpu.dma_semaphore, #tpu.memory_space<semaphore_mem>>) src(%dma_wait3A_49 : memref<10240x128xf32, #tpu.memory_space<hbm>>) dst(%arg9 : memref<128x128xf32, #tpu.memory_space<vmem>>)
        "tpu.region"() ({
          %run_scoped3A = tpu.sem_alloc : memref<!tpu.dma_semaphore, #tpu.memory_space<semaphore_mem>>
          %dma_start3A_71 = arith.constant 0 : i32
          %dma_start3A_72 = tpu.memref_slice %arg8[%add3A_44, %dma_start3A_71] : memref<40x128xi32, #tpu.memory_space<vmem>> -> memref<1x128xi32, #tpu.memory_space<vmem>>
          %dma_start3A_73 = tpu.memref_squeeze %dma_start3A_72 : memref<1x128xi32, #tpu.memory_space<vmem>> -> memref<128xi32, #tpu.memory_space<vmem>>
          %dma_start3A_74 = arith.constant 0 : i32
          %dma_start3A_75 = arith.constant 0 : i32
          %dma_start3A_76 = tpu.memref_slice %arg11[%dma_start3A_74, %dma_start3A_75] : memref<10240x128xf32, #tpu.memory_space<vmem_shared>> -> memref<10240x128xf32, #tpu.memory_space<vmem_shared>>
          tpu.enqueue_indirect_dma source(%arg9 : memref<128x128xf32, #tpu.memory_space<vmem>>) target(%dma_start3A_76 : memref<10240x128xf32, #tpu.memory_space<vmem_shared>>) offsets(%dma_start3A_73 : memref<128xi32, #tpu.memory_space<vmem>>) semaphore(%run_scoped3A : memref<!tpu.dma_semaphore, #tpu.memory_space<semaphore_mem>>) {add = true}
          %dma_wait3A_77 = arith.constant 0 : i32
          %dma_wait3A_78 = tpu.memref_slice %arg8[%add3A_44, %dma_wait3A_77] : memref<40x128xi32, #tpu.memory_space<vmem>> -> memref<1x128xi32, #tpu.memory_space<vmem>>
          %dma_wait3A_79 = tpu.memref_squeeze %dma_wait3A_78 : memref<1x128xi32, #tpu.memory_space<vmem>> -> memref<128xi32, #tpu.memory_space<vmem>>
          %dma_wait3A_80 = arith.constant 0 : i32
          %dma_wait3A_81 = arith.constant 0 : i32
          %dma_wait3A_82 = tpu.memref_slice %arg11[%dma_wait3A_80, %dma_wait3A_81] : memref<10240x128xf32, #tpu.memory_space<vmem_shared>> -> memref<10240x128xf32, #tpu.memory_space<vmem_shared>>
          tpu.wait_indirect_dma semaphore(%run_scoped3A : memref<!tpu.dma_semaphore, #tpu.memory_space<semaphore_mem>>) src(%arg9 : memref<128x128xf32, #tpu.memory_space<vmem>>) dst(%dma_wait3A_82 : memref<10240x128xf32, #tpu.memory_space<vmem_shared>>)
          tpu.yield
        }) : () -> ()
        %add3A_50 = arith.constant 2 : i32
        %add3A_51 = arith.addi %add3A_44, %add3A_50 : i32
        %lt3A = arith.constant 40 : i32
        %lt3A_52 = arith.cmpi slt, %add3A_51, %lt3A : i32
        %convert_element_type3A = arith.extui %lt3A_52 : i1 to i32
        %cond3A = arith.constant 0 : i32
        %cond3A_53 = arith.cmpi ne, %convert_element_type3A, %cond3A : i32
        scf.if %cond3A_53 {
          %dma_start3A_71 = arith.constant 0 : i32
          %dma_start3A_72 = tpu.memref_slice %arg7[%add3A_51, %dma_start3A_71] : memref<40x128xi32, #tpu.memory_space<vmem>> -> memref<1x128xi32, #tpu.memory_space<vmem>>
          %dma_start3A_73 = tpu.memref_squeeze %dma_start3A_72 : memref<1x128xi32, #tpu.memory_space<vmem>> -> memref<128xi32, #tpu.memory_space<vmem>>
          %dma_start3A_74 = arith.constant 0 : i32
          %dma_start3A_75 = arith.constant 0 : i32
          %dma_start3A_76 = tpu.memref_slice %arg2[%dma_start3A_74, %dma_start3A_75] : memref<10240x128xf32, #tpu.memory_space<hbm>> -> memref<10240x128xf32, #tpu.memory_space<hbm>>
          tpu.enqueue_indirect_dma source(%dma_start3A_76 : memref<10240x128xf32, #tpu.memory_space<hbm>>) target(%arg9 : memref<128x128xf32, #tpu.memory_space<vmem>>) offsets(%dma_start3A_73 : memref<128xi32, #tpu.memory_space<vmem>>) semaphore(%arg12 : memref<!tpu.dma_semaphore, #tpu.memory_space<semaphore_mem>>)
        } else {
        }
        %mul3A_54 = arith.constant 2 : i32
        %mul3A_55 = arith.muli %scan3A_40, %mul3A_54 : i32
        %add3A_56 = arith.constant 1 : i32
        %add3A_57 = arith.addi %mul3A_55, %add3A_56 : i32
        %dma_wait3A_58 = arith.constant 0 : i32
        %dma_wait3A_59 = tpu.memref_slice %arg7[%add3A_57, %dma_wait3A_58] : memref<40x128xi32, #tpu.memory_space<vmem>> -> memref<1x128xi32, #tpu.memory_space<vmem>>
        %dma_wait3A_60 = tpu.memref_squeeze %dma_wait3A_59 : memref<1x128xi32, #tpu.memory_space<vmem>> -> memref<128xi32, #tpu.memory_space<vmem>>
        %dma_wait3A_61 = arith.constant 0 : i32
        %dma_wait3A_62 = arith.constant 0 : i32
        %dma_wait3A_63 = tpu.memref_slice %arg2[%dma_wait3A_61, %dma_wait3A_62] : memref<10240x128xf32, #tpu.memory_space<hbm>> -> memref<10240x128xf32, #tpu.memory_space<hbm>>
        tpu.wait_indirect_dma semaphore(%arg13 : memref<!tpu.dma_semaphore, #tpu.memory_space<semaphore_mem>>) src(%dma_wait3A_63 : memref<10240x128xf32, #tpu.memory_space<hbm>>) dst(%arg10 : memref<128x128xf32, #tpu.memory_space<vmem>>)
        "tpu.region"() ({
          %run_scoped3A = tpu.sem_alloc : memref<!tpu.dma_semaphore, #tpu.memory_space<semaphore_mem>>
          %dma_start3A_71 = arith.constant 0 : i32
          %dma_start3A_72 = tpu.memref_slice %arg8[%add3A_57, %dma_start3A_71] : memref<40x128xi32, #tpu.memory_space<vmem>> -> memref<1x128xi32, #tpu.memory_space<vmem>>
          %dma_start3A_73 = tpu.memref_squeeze %dma_start3A_72 : memref<1x128xi32, #tpu.memory_space<vmem>> -> memref<128xi32, #tpu.memory_space<vmem>>
          %dma_start3A_74 = arith.constant 0 : i32
          %dma_start3A_75 = arith.constant 0 : i32
          %dma_start3A_76 = tpu.memref_slice %arg11[%dma_start3A_74, %dma_start3A_75] : memref<10240x128xf32, #tpu.memory_space<vmem_shared>> -> memref<10240x128xf32, #tpu.memory_space<vmem_shared>>
          tpu.enqueue_indirect_dma source(%arg10 : memref<128x128xf32, #tpu.memory_space<vmem>>) target(%dma_start3A_76 : memref<10240x128xf32, #tpu.memory_space<vmem_shared>>) offsets(%dma_start3A_73 : memref<128xi32, #tpu.memory_space<vmem>>) semaphore(%run_scoped3A : memref<!tpu.dma_semaphore, #tpu.memory_space<semaphore_mem>>) {add = true}
          %dma_wait3A_77 = arith.constant 0 : i32
          %dma_wait3A_78 = tpu.memref_slice %arg8[%add3A_57, %dma_wait3A_77] : memref<40x128xi32, #tpu.memory_space<vmem>> -> memref<1x128xi32, #tpu.memory_space<vmem>>
          %dma_wait3A_79 = tpu.memref_squeeze %dma_wait3A_78 : memref<1x128xi32, #tpu.memory_space<vmem>> -> memref<128xi32, #tpu.memory_space<vmem>>
          %dma_wait3A_80 = arith.constant 0 : i32
          %dma_wait3A_81 = arith.constant 0 : i32
          %dma_wait3A_82 = tpu.memref_slice %arg11[%dma_wait3A_80, %dma_wait3A_81] : memref<10240x128xf32, #tpu.memory_space<vmem_shared>> -> memref<10240x128xf32, #tpu.memory_space<vmem_shared>>
          tpu.wait_indirect_dma semaphore(%run_scoped3A : memref<!tpu.dma_semaphore, #tpu.memory_space<semaphore_mem>>) src(%arg10 : memref<128x128xf32, #tpu.memory_space<vmem>>) dst(%dma_wait3A_82 : memref<10240x128xf32, #tpu.memory_space<vmem_shared>>)
          tpu.yield
        }) : () -> ()
        %add3A_64 = arith.constant 2 : i32
        %add3A_65 = arith.addi %add3A_57, %add3A_64 : i32
        %lt3A_66 = arith.constant 40 : i32
        %lt3A_67 = arith.cmpi slt, %add3A_65, %lt3A_66 : i32
        %convert_element_type3A_68 = arith.extui %lt3A_67 : i1 to i32
        %cond3A_69 = arith.constant 0 : i32
        %cond3A_70 = arith.cmpi ne, %convert_element_type3A_68, %cond3A_69 : i32
        scf.if %cond3A_70 {
          %dma_start3A_71 = arith.constant 0 : i32
          %dma_start3A_72 = tpu.memref_slice %arg7[%add3A_65, %dma_start3A_71] : memref<40x128xi32, #tpu.memory_space<vmem>> -> memref<1x128xi32, #tpu.memory_space<vmem>>
          %dma_start3A_73 = tpu.memref_squeeze %dma_start3A_72 : memref<1x128xi32, #tpu.memory_space<vmem>> -> memref<128xi32, #tpu.memory_space<vmem>>
          %dma_start3A_74 = arith.constant 0 : i32
          %dma_start3A_75 = arith.constant 0 : i32
          %dma_start3A_76 = tpu.memref_slice %arg2[%dma_start3A_74, %dma_start3A_75] : memref<10240x128xf32, #tpu.memory_space<hbm>> -> memref<10240x128xf32, #tpu.memory_space<hbm>>
          tpu.enqueue_indirect_dma source(%dma_start3A_76 : memref<10240x128xf32, #tpu.memory_space<hbm>>) target(%arg10 : memref<128x128xf32, #tpu.memory_space<vmem>>) offsets(%dma_start3A_73 : memref<128xi32, #tpu.memory_space<vmem>>) semaphore(%arg13 : memref<!tpu.dma_semaphore, #tpu.memory_space<semaphore_mem>>)
        } else {
        }
      }
      %scan3A_39 = arith.constant 20 : i32
    }
    %scan3A_11 = arith.constant 2 : i32
    %barrier3A_12 = arith.constant 0 : index
    tpu.barrier barrier_id(%barrier3A_12)
    %mul3A_13 = arith.constant 640 : i32
    %mul3A_14 = arith.muli %arg1, %mul3A_13 : i32
    %mul3A_15 = arith.constant 640 : i32
    %mul3A_16 = arith.muli %arg1, %mul3A_15 : i32
    "tpu.region"() ({
      %run_scoped3A = tpu.sem_alloc : memref<!tpu.dma_semaphore, #tpu.memory_space<semaphore_mem>>
      %dma_start3A = arith.constant 0 : i32
      %dma_start3A_17 = tpu.memref_slice %arg6[%arg0, %mul3A_16, %dma_start3A] : memref<2x10240x128xf32, #tpu.memory_space<hbm>> -> memref<1x640x128xf32, #tpu.memory_space<hbm>>
      %dma_start3A_18 = tpu.memref_squeeze %dma_start3A_17 : memref<1x640x128xf32, #tpu.memory_space<hbm>> -> memref<640x128xf32, #tpu.memory_space<hbm>>
      %dma_start3A_19 = arith.constant 0 : i32
      %dma_start3A_20 = tpu.memref_slice %arg11[%mul3A_14, %dma_start3A_19] : memref<10240x128xf32, #tpu.memory_space<vmem_shared>> -> memref<640x128xf32, #tpu.memory_space<vmem_shared>>
      tpu.enqueue_dma source(%dma_start3A_20 : memref<640x128xf32, #tpu.memory_space<vmem_shared>>) target(%dma_start3A_18 : memref<640x128xf32, #tpu.memory_space<hbm>>) target_semaphore(%run_scoped3A : memref<!tpu.dma_semaphore, #tpu.memory_space<semaphore_mem>>)
      %dma_wait3A = arith.constant 0 : i32
      %dma_wait3A_21 = tpu.memref_slice %arg6[%arg0, %mul3A_16, %dma_wait3A] : memref<2x10240x128xf32, #tpu.memory_space<hbm>> -> memref<1x640x128xf32, #tpu.memory_space<hbm>>
      %dma_wait3A_22 = tpu.memref_squeeze %dma_wait3A_21 : memref<1x640x128xf32, #tpu.memory_space<hbm>> -> memref<640x128xf32, #tpu.memory_space<hbm>>
      %dma_wait3A_23 = arith.constant 0 : i32
      %dma_wait3A_24 = tpu.memref_slice %arg11[%mul3A_14, %dma_wait3A_23] : memref<10240x128xf32, #tpu.memory_space<vmem_shared>> -> memref<640x128xf32, #tpu.memory_space<vmem_shared>>
      tpu.wait_dma2 semaphore(%run_scoped3A : memref<!tpu.dma_semaphore, #tpu.memory_space<semaphore_mem>>) src(%dma_wait3A_24 : memref<640x128xf32, #tpu.memory_space<vmem_shared>>) dst(%dma_wait3A_22 : memref<640x128xf32, #tpu.memory_space<hbm>>)
      tpu.yield
    }) : () -> ()
    return
  }
}

module attributes {stable_mosaic.version = 14 : i64} {
  func.func @_gates_body(%arg0: i32, %arg1: memref<1024x128xf32, #tpu.memory_space<vmem>>, %arg2: memref<1024x128xf32, #tpu.memory_space<vmem>>, %arg3: memref<128x512xf32, #tpu.memory_space<vmem>>, %arg4: memref<128x256xf32, #tpu.memory_space<vmem>>, %arg5: memref<128x256xf32, #tpu.memory_space<vmem>>, %arg6: memref<1x128xf32, #tpu.memory_space<vmem>>, %arg7: memref<1x128xf32, #tpu.memory_space<vmem>>, %arg8: memref<1x128xf32, #tpu.memory_space<vmem>>, %arg9: memref<1024x128xf32, #tpu.memory_space<vmem>>, %arg10: memref<1024x128xf32, #tpu.memory_space<vmem>>, %arg11: memref<1024x128xf32, #tpu.memory_space<vmem>>) attributes {dimension_semantics = [#tpu.dimension_semantics<arbitrary>], iteration_bounds = array<i64: 10>, scalar_prefetch = 0 : i64, scratch_operands = 0 : i64, tpu.core_type = #tpu.core_type<tc>, window_params = [{transform_indices = @transform_0, window_bounds = array<i64: 1024, 128>}, {transform_indices = @transform_1, window_bounds = array<i64: 1024, 128>}, {pipeline_mode = #tpu.pipeline_mode<synchronous>, transform_indices = @transform_2, window_bounds = array<i64: 128, 512>}, {pipeline_mode = #tpu.pipeline_mode<synchronous>, transform_indices = @transform_3, window_bounds = array<i64: 128, 256>}, {pipeline_mode = #tpu.pipeline_mode<synchronous>, transform_indices = @transform_4, window_bounds = array<i64: 128, 256>}, {pipeline_mode = #tpu.pipeline_mode<synchronous>, transform_indices = @transform_5, window_bounds = array<i64: 1, 128>}, {pipeline_mode = #tpu.pipeline_mode<synchronous>, transform_indices = @transform_6, window_bounds = array<i64: 1, 128>}, {pipeline_mode = #tpu.pipeline_mode<synchronous>, transform_indices = @transform_7, window_bounds = array<i64: 1, 128>}, {transform_indices = @transform_8, window_bounds = array<i64: 1024, 128>}, {transform_indices = @transform_9, window_bounds = array<i64: 1024, 128>}, {transform_indices = @transform_10, window_bounds = array<i64: 1024, 128>}]} {
    %get3A = arith.constant 0 : index
    %get3A_0 = arith.constant 0 : index
    %get3A_1 = vector.load %arg1[%get3A, %get3A_0] : memref<1024x128xf32, #tpu.memory_space<vmem>>, vector<1024x128xf32>
    %get3A_2 = arith.constant 0 : index
    %get3A_3 = arith.constant 0 : index
    %get3A_4 = vector.load %arg2[%get3A_2, %get3A_3] : memref<1024x128xf32, #tpu.memory_space<vmem>>, vector<1024x128xf32>
    %get3A_5 = arith.constant 0 : index
    %get3A_6 = arith.constant 0 : index
    %get3A_7 = vector.load %arg3[%get3A_5, %get3A_6] : memref<128x512xf32, #tpu.memory_space<vmem>>, vector<128x512xf32>
    %dot_general3A = arith.constant dense<0.000000e+00> : vector<1024x512xf32>
    %dot_general3A_8 = tpu.matmul %get3A_1, %get3A_7, %dot_general3A {dimension_numbers = #tpu.dot_dimension_numbers<[1], [0], [0], [1], [0, 0, 1, 1], [], []>, transpose_lhs_hint = false} : vector<1024x128xf32>, vector<128x512xf32>, vector<1024x512xf32> -> vector<1024x512xf32>
    %get3A_9 = arith.constant 0 : index
    %get3A_10 = arith.constant 0 : index
    %get3A_11 = vector.load %arg4[%get3A_9, %get3A_10] : memref<128x256xf32, #tpu.memory_space<vmem>>, vector<128x256xf32>
    %dot_general3A_12 = arith.constant dense<0.000000e+00> : vector<1024x256xf32>
    %dot_general3A_13 = tpu.matmul %get3A_4, %get3A_11, %dot_general3A_12 {dimension_numbers = #tpu.dot_dimension_numbers<[1], [0], [0], [1], [0, 0, 1, 1], [], []>, transpose_lhs_hint = false} : vector<1024x128xf32>, vector<128x256xf32>, vector<1024x256xf32> -> vector<1024x256xf32>
    %slice3A = vector.extract_strided_slice %dot_general3A_8 {offsets = [0, 0], sizes = [1024, 128], strides = [1, 1]} : vector<1024x512xf32> to vector<1024x128xf32>
    %slice3A_14 = vector.extract_strided_slice %dot_general3A_13 {offsets = [0, 0], sizes = [1024, 128], strides = [1, 1]} : vector<1024x256xf32> to vector<1024x128xf32>
    %add3A = arith.addf %slice3A, %slice3A_14 : vector<1024x128xf32>
    %get3A_15 = arith.constant 0 : index
    %get3A_16 = arith.constant 0 : index
    %get3A_17 = vector.load %arg6[%get3A_15, %get3A_16] : memref<1x128xf32, #tpu.memory_space<vmem>>, vector<1x128xf32>
    %add3A_18 = vector.broadcast %get3A_17 : vector<1x128xf32> to vector<1024x128xf32>
    %add3A_19 = arith.addf %add3A, %add3A_18 : vector<1024x128xf32>
    %logistic3A = arith.negf %add3A_19 : vector<1024x128xf32>
    %logistic3A_20 = math.exp %logistic3A : vector<1024x128xf32>
    %logistic3A_21 = arith.constant 1.000000e+00 : f32
    %logistic3A_22 = vector.broadcast %logistic3A_21 : f32 to vector<1024x128xf32>
    %logistic3A_23 = arith.addf %logistic3A_22, %logistic3A_20 : vector<1024x128xf32>
    %logistic3A_24 = arith.divf %logistic3A_22, %logistic3A_23 : vector<1024x128xf32>
    %slice3A_25 = vector.extract_strided_slice %dot_general3A_8 {offsets = [0, 128], sizes = [1024, 128], strides = [1, 1]} : vector<1024x512xf32> to vector<1024x128xf32>
    %slice3A_26 = vector.extract_strided_slice %dot_general3A_13 {offsets = [0, 128], sizes = [1024, 128], strides = [1, 1]} : vector<1024x256xf32> to vector<1024x128xf32>
    %add3A_27 = arith.addf %slice3A_25, %slice3A_26 : vector<1024x128xf32>
    %get3A_28 = arith.constant 0 : index
    %get3A_29 = arith.constant 0 : index
    %get3A_30 = vector.load %arg7[%get3A_28, %get3A_29] : memref<1x128xf32, #tpu.memory_space<vmem>>, vector<1x128xf32>
    %add3A_31 = vector.broadcast %get3A_30 : vector<1x128xf32> to vector<1024x128xf32>
    %add3A_32 = arith.addf %add3A_27, %add3A_31 : vector<1024x128xf32>
    %logistic3A_33 = arith.negf %add3A_32 : vector<1024x128xf32>
    %logistic3A_34 = math.exp %logistic3A_33 : vector<1024x128xf32>
    %logistic3A_35 = arith.constant 1.000000e+00 : f32
    %logistic3A_36 = vector.broadcast %logistic3A_35 : f32 to vector<1024x128xf32>
    %logistic3A_37 = arith.addf %logistic3A_36, %logistic3A_34 : vector<1024x128xf32>
    %logistic3A_38 = arith.divf %logistic3A_36, %logistic3A_37 : vector<1024x128xf32>
    %mul3A = arith.mulf %logistic3A_24, %get3A_4 : vector<1024x128xf32>
    %get3A_39 = arith.constant 0 : index
    %get3A_40 = arith.constant 0 : index
    %get3A_41 = vector.load %arg5[%get3A_39, %get3A_40] : memref<128x256xf32, #tpu.memory_space<vmem>>, vector<128x256xf32>
    %dot_general3A_42 = arith.constant dense<0.000000e+00> : vector<1024x256xf32>
    %dot_general3A_43 = tpu.matmul %mul3A, %get3A_41, %dot_general3A_42 {dimension_numbers = #tpu.dot_dimension_numbers<[1], [0], [0], [1], [0, 0, 1, 1], [], []>, transpose_lhs_hint = false} : vector<1024x128xf32>, vector<128x256xf32>, vector<1024x256xf32> -> vector<1024x256xf32>
    %slice3A_44 = vector.extract_strided_slice %dot_general3A_8 {offsets = [0, 256], sizes = [1024, 128], strides = [1, 1]} : vector<1024x512xf32> to vector<1024x128xf32>
    %slice3A_45 = vector.extract_strided_slice %dot_general3A_43 {offsets = [0, 0], sizes = [1024, 128], strides = [1, 1]} : vector<1024x256xf32> to vector<1024x128xf32>
    %add3A_46 = arith.addf %slice3A_44, %slice3A_45 : vector<1024x128xf32>
    %swap3A = arith.constant 0 : index
    %swap3A_47 = arith.constant 0 : index
    %swap3A_48 = vector.load %arg9[%swap3A, %swap3A_47] : memref<1024x128xf32, #tpu.memory_space<vmem>>, vector<1024x128xf32>
    tpu.vector_store %arg9[%swap3A, %swap3A_47], %add3A_46 {strides = array<i32>} : memref<1024x128xf32, #tpu.memory_space<vmem>>, vector<1024x128xf32>,
    %slice3A_49 = vector.extract_strided_slice %dot_general3A_8 {offsets = [0, 384], sizes = [1024, 128], strides = [1, 1]} : vector<1024x512xf32> to vector<1024x128xf32>
    %slice3A_50 = vector.extract_strided_slice %dot_general3A_43 {offsets = [0, 128], sizes = [1024, 128], strides = [1, 1]} : vector<1024x256xf32> to vector<1024x128xf32>
    %add3A_51 = arith.addf %slice3A_49, %slice3A_50 : vector<1024x128xf32>
    %get3A_52 = arith.constant 0 : index
    %get3A_53 = arith.constant 0 : index
    %get3A_54 = vector.load %arg8[%get3A_52, %get3A_53] : memref<1x128xf32, #tpu.memory_space<vmem>>, vector<1x128xf32>
    %add3A_55 = vector.broadcast %get3A_54 : vector<1x128xf32> to vector<1024x128xf32>
    %add3A_56 = arith.addf %add3A_51, %add3A_55 : vector<1024x128xf32>
    %swap3A_57 = arith.constant 0 : index
    %swap3A_58 = arith.constant 0 : index
    %swap3A_59 = vector.load %arg10[%swap3A_57, %swap3A_58] : memref<1024x128xf32, #tpu.memory_space<vmem>>, vector<1024x128xf32>
    tpu.vector_store %arg10[%swap3A_57, %swap3A_58], %add3A_56 {strides = array<i32>} : memref<1024x128xf32, #tpu.memory_space<vmem>>, vector<1024x128xf32>,
    %swap3A_60 = arith.constant 0 : index
    %swap3A_61 = arith.constant 0 : index
    %swap3A_62 = vector.load %arg11[%swap3A_60, %swap3A_61] : memref<1024x128xf32, #tpu.memory_space<vmem>>, vector<1024x128xf32>
    tpu.vector_store %arg11[%swap3A_60, %swap3A_61], %logistic3A_38 {strides = array<i32>} : memref<1024x128xf32, #tpu.memory_space<vmem>>, vector<1024x128xf32>,
    return
  }
  func.func @transform_0(%arg0: i32) -> (i32, i32) {
    %c0_i32 = arith.constant 0 : i32
    %c0_i32_0 = arith.constant 0 : i32
    return %arg0, %c0_i32 : i32, i32
  }
  func.func @transform_1(%arg0: i32) -> (i32, i32) {
    %c0_i32 = arith.constant 0 : i32
    %c0_i32_0 = arith.constant 0 : i32
    return %arg0, %c0_i32 : i32, i32
  }
  func.func @transform_2(%arg0: i32) -> (i32, i32) {
    %c0_i32 = arith.constant 0 : i32
    %c0_i32_0 = arith.constant 0 : i32
    %c0_i32_1 = arith.constant 0 : i32
    return %c0_i32, %c0_i32_0 : i32, i32
  }
  func.func @transform_3(%arg0: i32) -> (i32, i32) {
    %c0_i32 = arith.constant 0 : i32
    %c0_i32_0 = arith.constant 0 : i32
    %c0_i32_1 = arith.constant 0 : i32
    return %c0_i32, %c0_i32_0 : i32, i32
  }
  func.func @transform_4(%arg0: i32) -> (i32, i32) {
    %c0_i32 = arith.constant 0 : i32
    %c0_i32_0 = arith.constant 0 : i32
    %c0_i32_1 = arith.constant 0 : i32
    return %c0_i32, %c0_i32_0 : i32, i32
  }
  func.func @transform_5(%arg0: i32) -> (i32, i32) {
    %c0_i32 = arith.constant 0 : i32
    %c0_i32_0 = arith.constant 0 : i32
    %c0_i32_1 = arith.constant 0 : i32
    return %c0_i32, %c0_i32_0 : i32, i32
  }
  func.func @transform_6(%arg0: i32) -> (i32, i32) {
    %c0_i32 = arith.constant 0 : i32
    %c0_i32_0 = arith.constant 0 : i32
    %c0_i32_1 = arith.constant 0 : i32
    return %c0_i32, %c0_i32_0 : i32, i32
  }
  func.func @transform_7(%arg0: i32) -> (i32, i32) {
    %c0_i32 = arith.constant 0 : i32
    %c0_i32_0 = arith.constant 0 : i32
    %c0_i32_1 = arith.constant 0 : i32
    return %c0_i32, %c0_i32_0 : i32, i32
  }
  func.func @transform_8(%arg0: i32) -> (i32, i32) {
    %c0_i32 = arith.constant 0 : i32
    %c0_i32_0 = arith.constant 0 : i32
    return %arg0, %c0_i32 : i32, i32
  }
  func.func @transform_9(%arg0: i32) -> (i32, i32) {
    %c0_i32 = arith.constant 0 : i32
    %c0_i32_0 = arith.constant 0 : i32
    return %arg0, %c0_i32 : i32, i32
  }
  func.func @transform_10(%arg0: i32) -> (i32, i32) {
    %c0_i32 = arith.constant 0 : i32
    %c0_i32_0 = arith.constant 0 : i32
    return %arg0, %c0_i32 : i32, i32
  }
}

module attributes {stable_mosaic.version = 14 : i64} {
  func.func @_final_body(%arg0: i32, %arg1: memref<1024x128xf32, #tpu.memory_space<vmem>>, %arg2: memref<1024x128xf32, #tpu.memory_space<vmem>>, %arg3: memref<1024x128xf32, #tpu.memory_space<vmem>>, %arg4: memref<2x1024x128xf32, #tpu.memory_space<vmem>>, %arg5: memref<32x8x128xf32, #tpu.memory_space<vmem>>, %arg6: memref<1024x128xf32, #tpu.memory_space<vmem>>) attributes {dimension_semantics = [#tpu.dimension_semantics<arbitrary>], iteration_bounds = array<i64: 10>, scalar_prefetch = 0 : i64, scratch_operands = 0 : i64, tpu.core_type = #tpu.core_type<tc>, window_params = [{transform_indices = @transform_0, window_bounds = array<i64: 1024, 128>}, {transform_indices = @transform_1, window_bounds = array<i64: 1024, 128>}, {transform_indices = @transform_2, window_bounds = array<i64: 1024, 128>}, {transform_indices = @transform_3, window_bounds = array<i64: 2, 1024, 128>}, {transform_indices = @transform_4, window_bounds = array<i64: 32, 8, 128>}, {transform_indices = @transform_5, window_bounds = array<i64: 1024, 128>}]} {
    %get3A = arith.constant 0 : index
    %get3A_0 = arith.constant 0 : index
    %get3A_1 = vector.load %arg1[%get3A, %get3A_0] : memref<1024x128xf32, #tpu.memory_space<vmem>>, vector<1024x128xf32>
    %get3A_2 = arith.constant 0 : index
    %get3A_3 = arith.constant 0 : index
    %get3A_4 = arith.constant 0 : index
    %get3A_5 = vector.load %arg5[%get3A_2, %get3A_3, %get3A_4] : memref<32x8x128xf32, #tpu.memory_space<vmem>>, vector<32x8x128xf32>
    %reduce_sum3A = arith.constant dense<0.000000e+00> : vector<8x128xf32>
    %reduce_sum3A_6 = vector.multi_reduction <add>, %get3A_5, %reduce_sum3A [0] : vector<32x8x128xf32> to vector<8x128xf32>
    %iota3A = tpu.iota {dimensions = array<i32: 0>} : vector<1024x8xi32>
    %jit3A = arith.constant 128 : i32
    %div3A = vector.broadcast %jit3A : i32 to vector<1024x8xi32>
    %div3A_7 = arith.divsi %iota3A, %div3A : vector<1024x8xi32>
    %sign3A = arith.constant 0 : i32
    %sign3A_8 = vector.broadcast %sign3A : i32 to vector<1024x8xi32>
    %sign3A_9 = arith.cmpi sgt, %iota3A, %sign3A_8 : vector<1024x8xi32>
    %sign3A_10 = arith.extui %sign3A_9 : vector<1024x8xi1> to vector<1024x8xi32>
    %sign3A_11 = arith.constant 0 : i32
    %sign3A_12 = vector.broadcast %sign3A_11 : i32 to vector<1024x8xi32>
    %sign3A_13 = arith.cmpi slt, %iota3A, %sign3A_12 : vector<1024x8xi32>
    %sign3A_14 = arith.extui %sign3A_13 : vector<1024x8xi1> to vector<1024x8xi32>
    %sign3A_15 = arith.subi %sign3A_10, %sign3A_14 : vector<1024x8xi32>
    %sign3A_16 = arith.constant 0 : i32
    %sign3A_17 = arith.cmpi sgt, %jit3A, %sign3A_16 : i32
    %sign3A_18 = arith.extui %sign3A_17 : i1 to i32
    %sign3A_19 = arith.constant 0 : i32
    %sign3A_20 = arith.cmpi slt, %jit3A, %sign3A_19 : i32
    %sign3A_21 = arith.extui %sign3A_20 : i1 to i32
    %sign3A_22 = arith.subi %sign3A_18, %sign3A_21 : i32
    %ne3A = vector.broadcast %sign3A_22 : i32 to vector<1024x8xi32>
    %ne3A_23 = arith.cmpi ne, %sign3A_15, %ne3A : vector<1024x8xi32>
    %rem3A = vector.broadcast %jit3A : i32 to vector<1024x8xi32>
    %rem3A_24 = arith.remsi %iota3A, %rem3A : vector<1024x8xi32>
    %ne3A_25 = arith.constant 0 : i32
    %ne3A_26 = vector.broadcast %ne3A_25 : i32 to vector<1024x8xi32>
    %ne3A_27 = arith.cmpi ne, %rem3A_24, %ne3A_26 : vector<1024x8xi32>
    %and3A = arith.andi %ne3A_23, %ne3A_27 : vector<1024x8xi1>
    %sub3A = arith.constant 1 : i32
    %sub3A_28 = vector.broadcast %sub3A : i32 to vector<1024x8xi32>
    %sub3A_29 = arith.subi %div3A_7, %sub3A_28 : vector<1024x8xi32>
    %select_n3A = arith.select %and3A, %sub3A_29, %div3A_7 : vector<1024x8xi1>, vector<1024x8xi32>
    %iota3A_30 = tpu.iota {dimensions = array<i32: 1>} : vector<1024x8xi32>
    %eq3A = arith.cmpi eq, %select_n3A, %iota3A_30 : vector<1024x8xi32>
    %convert_element_type3A = arith.extui %eq3A : vector<1024x8xi1> to vector<1024x8xi32>
    %convert_element_type3A_31 = arith.sitofp %convert_element_type3A : vector<1024x8xi32> to vector<1024x8xf32>
    %dot_general3A = arith.constant dense<0.000000e+00> : vector<1024x128xf32>
    %dot_general3A_32 = tpu.matmul %convert_element_type3A_31, %reduce_sum3A_6, %dot_general3A {dimension_numbers = #tpu.dot_dimension_numbers<[1], [0], [0], [1], [0, 0, 1, 1], [], []>, transpose_lhs_hint = false} : vector<1024x8xf32>, vector<8x128xf32>, vector<1024x128xf32> -> vector<1024x128xf32>
    %iota3A_33 = tpu.iota {dimensions = array<i32: 0>} : vector<1024x128xi32>
    %jit3A_34 = arith.constant 128 : i32
    %eq3A_35 = arith.constant 0 : i32
    %eq3A_36 = arith.cmpi eq, %jit3A_34, %eq3A_35 : i32
    %jit3A_37 = arith.constant 1 : i32
    %select_n3A_38 = arith.select %eq3A_36, %jit3A_37, %jit3A_34 : i32
    %rem3A_39 = vector.broadcast %select_n3A_38 : i32 to vector<1024x128xi32>
    %rem3A_40 = arith.remsi %iota3A_33, %rem3A_39 : vector<1024x128xi32>
    %ne3A_41 = arith.constant 0 : i32
    %ne3A_42 = vector.broadcast %ne3A_41 : i32 to vector<1024x128xi32>
    %ne3A_43 = arith.cmpi ne, %rem3A_40, %ne3A_42 : vector<1024x128xi32>
    %lt3A = arith.constant 0 : i32
    %lt3A_44 = vector.broadcast %lt3A : i32 to vector<1024x128xi32>
    %lt3A_45 = arith.cmpi slt, %rem3A_40, %lt3A_44 : vector<1024x128xi32>
    %lt3A_46 = arith.constant 0 : i32
    %lt3A_47 = arith.cmpi slt, %select_n3A_38, %lt3A_46 : i32
    %ne3A_48 = vector.broadcast %lt3A_47 : i1 to vector<1024x128xi1>
    %ne3A_49 = vector.broadcast %ne3A_48 : vector<1024x128xi1> to vector<1024x128xi1>
    %ne3A_50 = arith.xori %lt3A_45, %ne3A_49 : vector<1024x128xi1>
    %and3A_51 = arith.andi %ne3A_50, %ne3A_43 : vector<1024x128xi1>
    %add3A = vector.broadcast %select_n3A_38 : i32 to vector<1024x128xi32>
    %add3A_52 = arith.addi %rem3A_40, %add3A : vector<1024x128xi32>
    %select_n3A_53 = arith.select %and3A_51, %add3A_52, %rem3A_40 : vector<1024x128xi1>, vector<1024x128xi32>
    %iota3A_54 = tpu.iota {dimensions = array<i32: 1>} : vector<1024x128xi32>
    %eq3A_55 = arith.cmpi eq, %select_n3A_53, %iota3A_54 : vector<1024x128xi32>
    %convert_element_type3A_56 = arith.extui %eq3A_55 : vector<1024x128xi1> to vector<1024x128xi32>
    %convert_element_type3A_57 = arith.sitofp %convert_element_type3A_56 : vector<1024x128xi32> to vector<1024x128xf32>
    %mul3A = arith.mulf %dot_general3A_32, %convert_element_type3A_57 : vector<1024x128xf32>
    %reduce_sum3A_58 = arith.constant dense<0.000000e+00> : vector<1024xf32>
    %reduce_sum3A_59 = vector.multi_reduction <add>, %mul3A, %reduce_sum3A_58 [1] : vector<1024x128xf32> to vector<1024xf32>
    %broadcast_in_dim3A = vector.shape_cast %reduce_sum3A_59 : vector<1024xf32> to vector<1024x1xf32>
    %get3A_60 = arith.constant 0 : index
    %get3A_61 = arith.constant 0 : index
    %get3A_62 = arith.constant 0 : index
    %get3A_63 = vector.load %arg4[%get3A_60, %get3A_61, %get3A_62] : memref<2x1024x128xf32, #tpu.memory_space<vmem>>, vector<1x1024x128xf32>
    %get3A_64 = vector.shape_cast %get3A_63 : vector<1x1024x128xf32> to vector<1024x128xf32>
    %get3A_65 = arith.constant 1 : index
    %get3A_66 = arith.constant 0 : index
    %get3A_67 = arith.constant 0 : index
    %get3A_68 = vector.load %arg4[%get3A_65, %get3A_66, %get3A_67] : memref<2x1024x128xf32, #tpu.memory_space<vmem>>, vector<1x1024x128xf32>
    %get3A_69 = vector.shape_cast %get3A_68 : vector<1x1024x128xf32> to vector<1024x128xf32>
    %add3A_70 = arith.addf %get3A_64, %get3A_69 : vector<1024x128xf32>
    %max3A = arith.constant 1.000000e+00 : f32
    %max3A_71 = vector.broadcast %max3A : f32 to vector<1024x1xf32>
    %max3A_72 = arith.maximumf %broadcast_in_dim3A, %max3A_71 : vector<1024x1xf32>
    %div3A_73 = vector.broadcast %max3A_72 : vector<1024x1xf32> to vector<1024x128xf32>
    %div3A_74 = arith.divf %add3A_70, %div3A_73 : vector<1024x128xf32>
    %get3A_75 = arith.constant 0 : index
    %get3A_76 = arith.constant 0 : index
    %get3A_77 = vector.load %arg3[%get3A_75, %get3A_76] : memref<1024x128xf32, #tpu.memory_space<vmem>>, vector<1024x128xf32>
    %add3A_78 = arith.addf %div3A_74, %get3A_77 : vector<1024x128xf32>
    %sub3A_79 = arith.constant 1.000000e+00 : f32
    %sub3A_80 = vector.broadcast %sub3A_79 : f32 to vector<1024x128xf32>
    %sub3A_81 = arith.subf %sub3A_80, %get3A_1 : vector<1024x128xf32>
    %mul3A_82 = arith.mulf %sub3A_81, %add3A_78 : vector<1024x128xf32>
    %get3A_83 = arith.constant 0 : index
    %get3A_84 = arith.constant 0 : index
    %get3A_85 = vector.load %arg2[%get3A_83, %get3A_84] : memref<1024x128xf32, #tpu.memory_space<vmem>>, vector<1024x128xf32>
    %mul3A_86 = arith.mulf %get3A_1, %get3A_85 : vector<1024x128xf32>
    %add3A_87 = arith.addf %mul3A_82, %mul3A_86 : vector<1024x128xf32>
    %swap3A = arith.constant 0 : index
    %swap3A_88 = arith.constant 0 : index
    %swap3A_89 = vector.load %arg6[%swap3A, %swap3A_88] : memref<1024x128xf32, #tpu.memory_space<vmem>>, vector<1024x128xf32>
    tpu.vector_store %arg6[%swap3A, %swap3A_88], %add3A_87 {strides = array<i32>} : memref<1024x128xf32, #tpu.memory_space<vmem>>, vector<1024x128xf32>,
    return
  }
  func.func @transform_0(%arg0: i32) -> (i32, i32) {
    %c0_i32 = arith.constant 0 : i32
    %c0_i32_0 = arith.constant 0 : i32
    return %arg0, %c0_i32 : i32, i32
  }
  func.func @transform_1(%arg0: i32) -> (i32, i32) {
    %c0_i32 = arith.constant 0 : i32
    %c0_i32_0 = arith.constant 0 : i32
    return %arg0, %c0_i32 : i32, i32
  }
  func.func @transform_2(%arg0: i32) -> (i32, i32) {
    %c0_i32 = arith.constant 0 : i32
    %c0_i32_0 = arith.constant 0 : i32
    return %arg0, %c0_i32 : i32, i32
  }
  func.func @transform_3(%arg0: i32) -> (i32, i32, i32) {
    %c0_i32 = arith.constant 0 : i32
    %c0_i32_0 = arith.constant 0 : i32
    %c0_i32_1 = arith.constant 0 : i32
    return %c0_i32, %arg0, %c0_i32_0 : i32, i32, i32
  }
  func.func @transform_4(%arg0: i32) -> (i32, i32, i32) {
    %c0_i32 = arith.constant 0 : i32
    %c0_i32_0 = arith.constant 0 : i32
    %c0_i32_1 = arith.constant 0 : i32
    return %c0_i32, %arg0, %c0_i32_0 : i32, i32, i32
  }
  func.func @transform_5(%arg0: i32) -> (i32, i32) {
    %c0_i32 = arith.constant 0 : i32
    %c0_i32_0 = arith.constant 0 : i32
    return %arg0, %c0_i32 : i32, i32
  }
}

</mosaic_0001>

<sc_bundles>
// kernel: kernel.6.cloned.1.call-start
scs
__scs_entry_jumppad:
0x0: {  	(pc) =	sbr.rel $0x88, $3  }
0x1: {  	(tag) =	ssettag $0x0;
	lr =	simm.s32 $0x1  }
0x2: {  	[smem:$0x3F95] =	sst lr;
	_ =	strace $0xD0000000  }
0x3: {  	_ = 	snop  }
0x4: {  	_ = 	snop  }
0x5: {  	_ = 	snop  }
0x6: {  	_ = 	snop  }
0x7: {  	_ = 	snop  }
__scs_overlays_trampoline_lowered:
0x8: {  	[smem:$0x3FA4] =	sst s0  }
0x9: {  	[smem:$0x3FA5] =	sst s1  }
0xa: {  	[smem:$0x3FA6] =	sst s2  }
0xb: {  	[smem:$0x3FA7] =	sst s3  }
0xc: {  	[smem:$0x3FA8] =	sst s4  }
0xd: {  	[smem:$0x3FA9] =	sst s5  }
0xe: {  	[smem:$0x3FAA] =	sst s6  }
0xf: {  	[smem:$0x3FAB] =	sst s7  }
0x10: {  	[smem:$0x3FAC] =	sst s8  }
0x11: {  	[smem:$0x3FAD] =	sst s9;
	s0 =	simm.s32 @!p0 $0x0  }
0x12: {  	s1 =	sld [smem:$0x3F93];
	s0 =	simm.s32 @p0 $0x1  }
0x13: {  	[smem:$0x3FAE] =	sst s0;
	s0 =	simm.s32 @!p1 $0x0  }
0x14: {  	s2 =	sld [smem:$0x3F92];
	s0 =	simm.s32 @p1 $0x1  }
0x15: {  	[smem:$0x3FAF] =	sst s0;
	s0 =	simm.s32 @!p2 $0x0  }
0x16: {  	s3 =	sld [smem:$0x3FDB];
	s0 =	simm.s32 @p2 $0x1  }
0x17: {  	s4 =	simm.s32 $0x1BF5;
	[smem:$0x3FB1] =	sst s0  }
0x18: {  	s0 =	sld [smem:$0x3F94];
	_ =	swait.ge [sflag:s4], $0x0  }
0x19: {  	s7 =	sld [smem:$0x3F95]  }
0x1a: {  	s8 =	sadd.s32 $0xFFFFE003, lr  }
0x1b: {  	s9 =	sadd.s32 $0xFFFFFEF7, lr;
	s5 =	simm.s32 $0xFFFFFFFF;
	p2 =	slt.u32 s8, $0xFFFFF086  }
0x1c: {  	p1 =	slt.u32 s9, $0xF7A;
	s5 =	simm.s32 @!p2 $0x0  }
0x1d: {  	s5 =	simm.s32 @p1 $0x1;
	p0 =	seq.s32 s7, s2  }
0x1e: {  	s7 =	smul.u32 @!p0 $0xF7A, s2;
	p2 =	seq.s32 @!p0 s5, $0x0  }
0x1f: {  	s9 =	smul.u32 $0xF7A, s1;
	s8 =	simm.s32 @!p0 $0x1BF5;
	p2 =	por !p2, p0  }
0x20: {  	[sflag:s8] =	ssyncset.s32 @!p0 $0xFFFFF086;
	s6 =	sadd.s32 @!p0 s3, s7;
	s7 =	simm.s32 @!p0 $0x108  }
0x21: {  	s3 =	sadd.s32 s3, s9;
	s6 =	sadd.s32 @!p0 $0x88, s6;
	s7 =	simm.s32 @p2 $0x1082  }
0x22: {  	[simem:s7], [sflag:s8] =	dma.local @!p0 [hbm:s6], $0xF7A  }
0x23: {  	s9 =	sor.u32 $0xD0000000, s2;
	s6 =	simm.s32 $0x108;
	_ =	swait.ge @!p0 [sflag:s8], $0x0  }
0x24: {  	s3 =	sadd.s32 $0x88, s3;
	s6 =	simm.s32 @!p1 $0x1082;
	[sflag:s4] =	ssyncset.s32 $0xFFFFF086  }
0x25: {  	[simem:s6], [sflag:s4] =	dma.local [hbm:s3], $0xF7A  }
0x26: {  	[smem:$0x3F95] =	sst s1;
	(tag) =	ssettag s2;
	_ =	strace s9  }
0x27: {  	s1 =	sld [smem:$0x3FA5]  }
0x28: {  	s2 =	sld [smem:$0x3FA6]  }
0x29: {  	s4 =	sld [smem:$0x3FA8]  }
0x2a: {  	p0 =	seq.s32 s5, $0x0;
	s5 =	sld [smem:$0x3FA9]  }
0x2b: {  	s6 =	sld [smem:$0x3FAA]  }
0x2c: {  	s7 =	sld [smem:$0x3FAB]  }
0x2d: {  	s3 =	simm.s32 $0x108;
	s8 =	sld [smem:$0x3FAC]  }
0x2e: {  	s3 =	simm.s32 @!p0 $0x1082;
	s9 =	sld [smem:$0x3FAD]  }
0x2f: {  	lr =	sadd.s32 s0, s3;
	s0 =	sld [smem:$0x3FA4]  }
0x30: {  	s3 =	sld [smem:$0x3FA7]  }
0x31: {  	[smem:$0x3FB0] =	sst s10  }
0x32: {  	s10 =	sld [smem:$0x3FAE];
	_ =	sdelay $0x3  }
0x33: {  	p0 =	seq.s32 s10, $0x1;
	s10 =	sld [smem:$0x3FB0];
	_ =	sdelay $0x3  }
0x34: {  	[smem:$0x3FB0] =	sst s10  }
0x35: {  	s10 =	sld [smem:$0x3FAF];
	_ =	sdelay $0x3  }
0x36: {  	p1 =	seq.s32 s10, $0x1;
	s10 =	sld [smem:$0x3FB0];
	_ =	sdelay $0x3  }
0x37: {  	[smem:$0x3FB0] =	sst s10  }
0x38: {  	s10 =	sld [smem:$0x3FB1]  }
0x39: {  	_ = 	snop;
	(pc) =	sbr.ind lr, $3  }
0x3a: {  	_ = 	snop  }
0x3b: {  	_ = 	snop  }
0x3c: {  	p2 =	seq.s32 s10, $0x1;
	s10 =	sld [smem:$0x3FB0]  }
0x3d: {  	_ =	shalt  }
0x3e: {  	_ =	shalt  }
0x3f: {  	_ =	shalt  }
0x40: {  	_ =	shalt  }
0x41: {  	_ =	shalt  }
0x42: {  	_ =	shalt  }
0x43: {  	_ =	shalt  }
0x44: {  	_ =	shalt  }
0x45: {  	_ =	shalt  }
0x46: {  	_ =	shalt  }
0x47: {  	_ =	shalt  }
0x48: {  	_ =	shalt  }
0x49: {  	_ =	shalt  }
0x4a: {  	_ =	shalt  }
0x4b: {  	_ =	shalt  }
0x4c: {  	_ =	shalt  }
0x4d: {  	_ =	shalt  }
0x4e: {  	_ =	shalt  }
0x4f: {  	_ =	shalt  }
0x50: {  	_ =	shalt  }
0x51: {  	_ =	shalt  }
0x52: {  	_ =	shalt  }
0x53: {  	_ =	shalt  }
0x54: {  	_ =	shalt  }
0x55: {  	_ =	shalt  }
0x56: {  	_ =	shalt  }
0x57: {  	_ =	shalt  }
0x58: {  	_ =	shalt  }
0x59: {  	_ =	shalt  }
0x5a: {  	_ =	shalt  }
0x5b: {  	_ =	shalt  }
0x5c: {  	_ =	shalt  }
0x5d: {  	_ =	shalt  }
0x5e: {  	_ =	shalt  }
0x5f: {  	_ =	shalt  }
0x60: {  	_ =	shalt  }
0x61: {  	_ =	shalt  }
0x62: {  	_ =	shalt  }
0x63: {  	_ =	shalt  }
0x64: {  	_ =	shalt  }
0x65: {  	_ =	shalt  }
0x66: {  	_ =	shalt  }
0x67: {  	_ =	shalt  }
0x68: {  	_ =	shalt  }
0x69: {  	_ =	shalt  }
0x6a: {  	_ =	shalt  }
0x6b: {  	_ =	shalt  }
0x6c: {  	_ =	shalt  }
0x6d: {  	_ =	shalt  }
0x6e: {  	_ =	shalt  }
0x6f: {  	_ =	shalt  }
0x70: {  	_ =	shalt  }
0x71: {  	_ =	shalt  }
0x72: {  	_ =	shalt  }
0x73: {  	_ =	shalt  }
0x74: {  	_ =	shalt  }
0x75: {  	_ =	shalt  }
0x76: {  	_ =	shalt  }
0x77: {  	_ =	shalt  }
0x78: {  	_ =	shalt  }
0x79: {  	_ =	shalt  }
0x7a: {  	_ =	shalt  }
0x7b: {  	_ =	shalt  }
0x7c: {  	_ =	shalt  }
0x7d: {  	_ =	shalt  }
0x7e: {  	_ =	shalt  }
0x7f: {  	_ =	shalt  }
0x80: {  	_ =	shalt  }
0x81: {  	_ =	shalt  }
0x82: {  	_ =	shalt  }
0x83: {  	_ =	shalt  }
0x84: {  	_ =	shalt  }
0x85: {  	_ =	shalt  }
0x86: {  	_ =	shalt  }
0x87: {  	_ =	shalt  }
.Lfunc_end0:
.L_simem_size_0:
called_computation_lowered:
.L_overlay_start_0:
0x88: {  	s2 =	sld [smem:$0x3FD9]  }
0x89: {  	s3 =	sld [smem:$0x3FFE];
	_ =	sdelay $0x1  }
0x8a: {  	s1 =	srdreg.scid  }
0x8b: {  	s0 =	sand.u32 $0x1, s1  }
0x8c: {  	s17 =	sshll.u32 s0, $0xA;
	s2 =	sadd.s32 s3, s2  }
0x8d: {  	s2 =	sadd.s32 s2, s17  }
0x8e: {  	[smem:$0x3FBC] =	sst s2  }
0x8f: {  	_ = 	snop  }
0x90: {  	s2 =	sld [smem:$0x3FD0];
	(tm) =	ssettm $0x1  }
0x91: {  	s18 =	sld [smem:$0x3FFB];
	_ =	sdelay $0x3  }
0x92: {  	_ =	strace s18  }
0x93: {  	s3 =	sld [smem:$0x3FFC];
	_ =	sdelay $0x3  }
0x94: {  	_ =	strace s3  }
0x95: {  	s3 =	sld [smem:$0x3FFD];
	_ =	sdelay $0x3  }
0x96: {  	_ =	strace s3  }
0x97: {  	_ =	strace $0x8FFFFFFF  }
0x98: {  	s19 =	sld [smem:$0x3FDB];
	_ =	sdelay $0x1  }
0x99: {  	s4 =	simm.s32 $_scs_section_size  }
0x9a: {  	s5 =	simm.s32 $_size__tile_overlayer_lowered;
	s6 =	simm.s32 $_tile_overlayer_lowered  }
0x9b: {  	s22 =	simm.s32 $0x1BFF;
	s21 =	sshll.u32 s6, $0x1;
	s3 =	sadd.s32 s4, s19  }
0x9c: {  	s7 =	simm.s32 $0x0;
	s20 =	sshll.u32 s5, $0x1;
	s5 =	sadd.s32 s21, s3  }
0x9d: {  	[timem:s7], [sflag:s22] =	dma.local [hbm:s5], s20  }
0x9e: {  	_ =	swait.ge [sflag:s22], s20  }
0x9f: {  	s4 =	ssub.s32 $0x0, s20;
	[sflag:s22] =	ssyncset.done $0x0  }
0xa0: {  	[sflag:s22] =	ssyncadd.s32 s4;
	_ =	sdelay $0x1  }
0xa1: {  	s23 =	simm.s32 $0x1B8B  }
0xa2: {  	_ =	swait.ge [sflag:s23], $0x1  }
0xa3: {  	[sflag:s23] =	ssyncset.done $0x0  }
0xa4: {  	s25 =	simm.s32 $0x1B8E;
	s24 =	sld [smem:$0x3FFE];
	[sflag:s23] =	ssyncadd.s32 $0xFFFFFFFF  }
0xa5: {  	s26 =	simm.s32 $execute0_lowered;
	[smem:$0x3FD2] =	sst s25  }
0xa6: {  	s5 =	sshll.u32 s26, $0x1;
	_ =	strace $0x80000046;
	[dreg:$0x1] =	wrdreg $0xFFFFFFFF  }
0xa7: {  	s28 =	simm.s32 $_size_execute0_lowered;
	s3 =	sadd.s32 s3, s5;
	[dreg:$0x0] =	wrdreg $0x0  }
0xa8: {  	s5 =	sshll.u32 s28, $0x1;
	[dreg:$0x2] =	wrdreg s3  }
0xa9: {  	[dreg:$0x3] =	wrdreg s5  }
0xaa: {  	[dreg:$0x4] =	wrdreg $0xC0  }
0xab: {  	_ =	task [dreg:s7], $0x5FFFF  }
0xac: {  	[dreg:$0x1] =	wrdreg $0xFFFFFFFF  }
0xad: {  	[dreg:$0x0] =	wrdreg $0x60  }
0xae: {  	[dreg:$0x2] =	wrdreg s2  }
0xaf: {  	[dreg:$0x3] =	wrdreg s24  }
0xb0: {  	[dreg:$0x4] =	wrdreg $0x9  }
0xb1: {  	_ =	task.clear_ibuf [dreg:s7], $0x5FFFF;
	_ =	strace $0x90000046  }
0xb2: {  	s29 =	simm.s32 $0x9;
	_ =	strace $0x80000048  }
0xb3: {  	_ =	swait.ge [sflag:s29], $0x1  }
0xb4: {  	[sflag:s29] =	ssyncadd.s32 $0xFFFFFFFF  }
0xb5: {  	_ =	strace $0x90000048  }
0xb6: {  	_ =	sfence  }
0xb7: {  	s30 =	sld [smem:$0x0];
	_ =	sdelay $0x2  }
0xb8: {  	s31 =	sshll.u32 s1, $0xD;
	s1 =	sshrl.u32 s1, $0x2  }
0xb9: {  	s3 =	sand.u32 $0x4000, s31;
	s1 =	sadd.s32 s1, s30  }
0xba: {  	s0 =	sor.u32 s3, s0;
	s1 =	sshll.u32 s1, $0x11  }
0xbb: {  	s0 =	sor.u32 s1, s0  }
0xbc: {  	s0 =	sadd.s32 $0x8F2B, s0  }
0xbd: {  	[sflag:s0] =	ssyncadd.remote.s32 $0x1  }
0xbe: {  	_ =	sfence.sel $0xFFFF  }
0xbf: {  	[dreg:$0x0] =	wrdreg $0xFFFFFFFF;
	(pc) =	sbr.abs _section_cstart, $3  }
0xc0: {  	[dreg:$0x1] =	wrdreg $0xFFFFFFFF  }
0xc1: {  	_ =	task.clear_ibuf [dreg:s7], $0x2FFFF;
	_ =	strace $0x9FFFFFFF  }
0xc2: {  	(tm) =	ssettm $0x7FFFFFFF  }
0xc3: {  	_ =	shalt  }
tec
execute0_lowered:
.L_overlay_start_1:
0x0: {  	(tag) =	ssettag $0x1  }
0x1: {  	s0 =	srdreg.scid;
	s4 =	rddreg [dreg:$0x0]  }
0x2: {  	s5 =	rddreg [dreg:$0x1];
	s3 =	sand.u32 $0x1, s0  }
0x3: {  	s2 =	simm.s32 $0x0;
	s0 =	stileid.u32;
	s1 =	sshll.u32 s3, $0x4  }
0x4: {  	s9 =	simm.s32 $0x80;
	s10 =	simm.s32 $0x400;
	s6 =	sor.u32 s0, s1  }
0x5: {  	s11 =	simm.s32 $0x0;
	[smem:$0x7FF] =	sst s2;
	s7 =	sshrl.u32 s6, $0x3  }
0x6: {  	s8 =	sshll.u32 s0, $0x7;
	s30 =	ssub.s32 $0x2, s3;
	s7 =	smul.u32 $0x14000, s7  }
0x7: {  	s3 =	sadd.s32 $0xD600, s5;
	s8 =	sand.u32 $0x380, s8;
	s6 =	smul.u32 $0x500, s6  }
0x8: {  	s1 =	rddreg [dreg:$0x2];
	_ =	strace $0x80000047;
	s7 =	sor.u32 s8, s7  }
0x9: {  	s31 =	sshrl.u32 s30, $0x1;
	s4 =	sadd.s32 s4, s6;
	s7 =	sshrl.u32 s7, $0x3  }
0xa: {  	s8 =	simm.s32 $0x1;
	s5 =	sadd.s32 s7, s5;
	s7 =	ssub.s32 s30, s31  }
0xb: {  	v0 =	vimm.f32 $1.000000000e+00;
	s5 =	sadd.s32 $0xDC00, s5;
	s6 =	smax.u32 s7, $0x1;
	s7 =	simm.s32 $0x2800  }
.LBB2_1:
0xc: {  	[tilespmem:s7], [sflag:$0x1] =	stream.linear.gather [hbm4b:s3+s2], $0x2800, $0x38;
	[tilespmem:$0x5000] =	vst v63  }
0xd: {  	_ =	swait.ge [sflag:s8], $0x2800  }
0xe: {  	[sflag:s8] =	ssyncset.done $0x0  }
0xf: {  	[sflag:s8] =	ssyncadd.s32 $0xFFFFD800  }
0x10: {  	[tilespmem:s2], [sflag:$0x1] =	stream.linear.gather [hbm4b:s4+s2], $0x2800, $0x38;
	[tilespmem:$0x5000] =	vst v63  }
0x11: {  	_ =	swait.ge [sflag:s8], $0x2800  }
0x12: {  	[sflag:s8] =	ssyncset.done $0x0  }
0x13: {  	s12 =	simm.s32 $0x0;
	[sflag:s8] =	ssyncadd.s32 $0xFFFFD800  }
.LBB2_2:
0x14: {  	s13 =	sshra.s32 s12, $0x2  }
0x15: {  	v1 =	vld [tilespmem:s13+$0x0];
	_ =	sdelay $0x7  }
0x16: {  	[tilespmem:v1+s7+$0x0] =	vst.idx.add.f32.msk $0xffff, v0  }
0x17: {  	v1 =	vld [tilespmem:s13+$0x10];
	_ =	sdelay $0x7  }
0x18: {  	[tilespmem:v1+s7+$0x0] =	vst.idx.add.f32.msk $0xffff, v0  }
0x19: {  	v1 =	vld [tilespmem:s13+$0x20];
	_ =	sdelay $0x7  }
0x1a: {  	[tilespmem:v1+s7+$0x0] =	vst.idx.add.f32.msk $0xffff, v0  }
0x1b: {  	v1 =	vld [tilespmem:s13+$0x30];
	_ =	sdelay $0x7  }
0x1c: {  	[tilespmem:v1+s7+$0x0] =	vst.idx.add.f32.msk $0xffff, v0  }
0x1d: {  	v1 =	vld [tilespmem:s13+$0x40];
	_ =	sdelay $0x7  }
0x1e: {  	[tilespmem:v1+s7+$0x0] =	vst.idx.add.f32.msk $0xffff, v0  }
0x1f: {  	v1 =	vld [tilespmem:s13+$0x50];
	_ =	sdelay $0x7  }
0x20: {  	[tilespmem:v1+s7+$0x0] =	vst.idx.add.f32.msk $0xffff, v0  }
0x21: {  	v1 =	vld [tilespmem:s13+$0x60];
	_ =	sdelay $0x7  }
0x22: {  	[tilespmem:v1+s7+$0x0] =	vst.idx.add.f32.msk $0xffff, v0  }
0x23: {  	v1 =	vld [tilespmem:s13+$0x70];
	_ =	sdelay $0x2  }
0x24: {  	p0 =	sne.s32 s12, $0x9E00  }
.Ltmp0:
0x25: {  	_ = 	snop;
	(pc) =	sbr.rel @p0 .LBB2_2-.Ltmp0, $2  }
0x26: {  	_ =	sdelay $0x2  }
0x27: {  	s12 =	sadd.s32 $0x200, s12;
	[tilespmem:v1+s7+$0x0] =	vst.idx.add.f32.msk $0xffff, v0  }
0x28: {  	s11 =	sadd.s32 $0x1, s11  }
0x29: {  	p0 =	sne.s32 s11, s6  }
.Ltmp1:
0x2a: {  	_ = 	snop;
	(pc) =	sbr.rel @p0 .LBB2_1-.Ltmp1, $4  }
0x2b: {  	[hbm4b:s5+s9] =	stream.strided.scatter [tilespmem:s7], [sflag:$0x1], $0x2800, s10, s9, $0x38;
	[tilespmem:$0x5000] =	vst v63  }
0x2c: {  	_ =	swait.ge [sflag:s8], $0x2800  }
0x2d: {  	[sflag:s8] =	ssyncset.done $0x0  }
0x2e: {  	[sflag:s8] =	ssyncadd.s32 $0xFFFFD800  }
0x2f: {  	_ =	sfence.sel $0x180000  }
0x30: {  	[bflag:$0x0] =	sbarrier.arrive $0xFFFF  }
0x31: {  	p0 =	sne.s32 s0, $0x0;
	_ =	strace $0x90000047  }
0x32: {  	s0 =	sadd.s32 @!p0 $0x100000, s1;
	[bflag:$0x2] =	sbarrier.arrive $0xFFFF  }
0x33: {  	[sflag:s0] =	ssyncadd.tile.s32 @!p0 $0x1;
	_ =	shalt  }
.Lfunc_end2:
_tile_overlayer_lowered:
.L_overlay_start_2:
0x34: {  	(tag) =	ssettag $0x2  }
0x35: {  	s0 =	rddreg [dreg:$0x0];
	s2 =	stileid.u32  }
0x36: {  	s1 =	rddreg [dreg:$0x1];
	p0 =	sne.s32 s2, $0x0  }
0x37: {  	s3 =	rddreg [dreg:$0x2];
	[bflag:$0x3] =	sbarrier.arrive $0xFFFF;
	s2 =	simm.s32 @!p0 $0x1C01  }
0x38: {  	[timem:s3], [sflag:s2] =	dma.local @!p0 [hbm:s0], s1  }
0x39: {  	s0 =	simm.s32 @!p0 $0x1  }
0x3a: {  	_ =	swait.ge @!p0 [sflag:s0], s1  }
0x3b: {  	s1 =	ssub.s32 @!p0 $0x0, s1;
	[sflag:s0] =	ssyncset.done @!p0 $0x0  }
0x3c: {  	[sflag:s0] =	ssyncadd.s32 @!p0 s1  }
0x3d: {  	[bflag:$0x3] =	sbarrier.arrive $0xFFFF  }
0x3e: {  	_ =	shalt  }

// kernel: kernel.9.cloned.1.call-start
scs
__scs_entry_jumppad:
0x0: {  	(pc) =	sbr.rel $0x88, $3  }
0x1: {  	(tag) =	ssettag $0x0;
	lr =	simm.s32 $0x1  }
0x2: {  	[smem:$0x3F95] =	sst lr;
	_ =	strace $0xD0000000  }
0x3: {  	_ = 	snop  }
0x4: {  	_ = 	snop  }
0x5: {  	_ = 	snop  }
0x6: {  	_ = 	snop  }
0x7: {  	_ = 	snop  }
__scs_overlays_trampoline_lowered:
0x8: {  	[smem:$0x3FA4] =	sst s0  }
0x9: {  	[smem:$0x3FA5] =	sst s1  }
0xa: {  	[smem:$0x3FA6] =	sst s2  }
0xb: {  	[smem:$0x3FA7] =	sst s3  }
0xc: {  	[smem:$0x3FA8] =	sst s4  }
0xd: {  	[smem:$0x3FA9] =	sst s5  }
0xe: {  	[smem:$0x3FAA] =	sst s6  }
0xf: {  	[smem:$0x3FAB] =	sst s7  }
0x10: {  	[smem:$0x3FAC] =	sst s8  }
0x11: {  	[smem:$0x3FAD] =	sst s9;
	s0 =	simm.s32 @!p0 $0x0  }
0x12: {  	s1 =	sld [smem:$0x3F93];
	s0 =	simm.s32 @p0 $0x1  }
0x13: {  	[smem:$0x3FAE] =	sst s0;
	s0 =	simm.s32 @!p1 $0x0  }
0x14: {  	s2 =	sld [smem:$0x3F92];
	s0 =	simm.s32 @p1 $0x1  }
0x15: {  	[smem:$0x3FAF] =	sst s0;
	s0 =	simm.s32 @!p2 $0x0  }
0x16: {  	s3 =	sld [smem:$0x3FDB];
	s0 =	simm.s32 @p2 $0x1  }
0x17: {  	s4 =	simm.s32 $0x1BF5;
	[smem:$0x3FB1] =	sst s0  }
0x18: {  	s0 =	sld [smem:$0x3F94];
	_ =	swait.ge [sflag:s4], $0x0  }
0x19: {  	s7 =	sld [smem:$0x3F95]  }
0x1a: {  	s8 =	sadd.s32 $0xFFFFE003, lr  }
0x1b: {  	s9 =	sadd.s32 $0xFFFFFEF7, lr;
	s5 =	simm.s32 $0xFFFFFFFF;
	p2 =	slt.u32 s8, $0xFFFFF086  }
0x1c: {  	p1 =	slt.u32 s9, $0xF7A;
	s5 =	simm.s32 @!p2 $0x0  }
0x1d: {  	s5 =	simm.s32 @p1 $0x1;
	p0 =	seq.s32 s7, s2  }
0x1e: {  	s7 =	smul.u32 @!p0 $0xF7A, s2;
	p2 =	seq.s32 @!p0 s5, $0x0  }
0x1f: {  	s9 =	smul.u32 $0xF7A, s1;
	s8 =	simm.s32 @!p0 $0x1BF5;
	p2 =	por !p2, p0  }
0x20: {  	[sflag:s8] =	ssyncset.s32 @!p0 $0xFFFFF086;
	s6 =	sadd.s32 @!p0 s3, s7;
	s7 =	simm.s32 @!p0 $0x108  }
0x21: {  	s3 =	sadd.s32 s3, s9;
	s6 =	sadd.s32 @!p0 $0x88, s6;
	s7 =	simm.s32 @p2 $0x1082  }
0x22: {  	[simem:s7], [sflag:s8] =	dma.local @!p0 [hbm:s6], $0xF7A  }
0x23: {  	s9 =	sor.u32 $0xD0000000, s2;
	s6 =	simm.s32 $0x108;
	_ =	swait.ge @!p0 [sflag:s8], $0x0  }
0x24: {  	s3 =	sadd.s32 $0x88, s3;
	s6 =	simm.s32 @!p1 $0x1082;
	[sflag:s4] =	ssyncset.s32 $0xFFFFF086  }
0x25: {  	[simem:s6], [sflag:s4] =	dma.local [hbm:s3], $0xF7A  }
0x26: {  	[smem:$0x3F95] =	sst s1;
	(tag) =	ssettag s2;
	_ =	strace s9  }
0x27: {  	s1 =	sld [smem:$0x3FA5]  }
0x28: {  	s2 =	sld [smem:$0x3FA6]  }
0x29: {  	s4 =	sld [smem:$0x3FA8]  }
0x2a: {  	p0 =	seq.s32 s5, $0x0;
	s5 =	sld [smem:$0x3FA9]  }
0x2b: {  	s6 =	sld [smem:$0x3FAA]  }
0x2c: {  	s7 =	sld [smem:$0x3FAB]  }
0x2d: {  	s3 =	simm.s32 $0x108;
	s8 =	sld [smem:$0x3FAC]  }
0x2e: {  	s3 =	simm.s32 @!p0 $0x1082;
	s9 =	sld [smem:$0x3FAD]  }
0x2f: {  	lr =	sadd.s32 s0, s3;
	s0 =	sld [smem:$0x3FA4]  }
0x30: {  	s3 =	sld [smem:$0x3FA7]  }
0x31: {  	[smem:$0x3FB0] =	sst s10  }
0x32: {  	s10 =	sld [smem:$0x3FAE];
	_ =	sdelay $0x3  }
0x33: {  	p0 =	seq.s32 s10, $0x1;
	s10 =	sld [smem:$0x3FB0];
	_ =	sdelay $0x3  }
0x34: {  	[smem:$0x3FB0] =	sst s10  }
0x35: {  	s10 =	sld [smem:$0x3FAF];
	_ =	sdelay $0x3  }
0x36: {  	p1 =	seq.s32 s10, $0x1;
	s10 =	sld [smem:$0x3FB0];
	_ =	sdelay $0x3  }
0x37: {  	[smem:$0x3FB0] =	sst s10  }
0x38: {  	s10 =	sld [smem:$0x3FB1]  }
0x39: {  	_ = 	snop;
	(pc) =	sbr.ind lr, $3  }
0x3a: {  	_ = 	snop  }
0x3b: {  	_ = 	snop  }
0x3c: {  	p2 =	seq.s32 s10, $0x1;
	s10 =	sld [smem:$0x3FB0]  }
0x3d: {  	_ =	shalt  }
0x3e: {  	_ =	shalt  }
0x3f: {  	_ =	shalt  }
0x40: {  	_ =	shalt  }
0x41: {  	_ =	shalt  }
0x42: {  	_ =	shalt  }
0x43: {  	_ =	shalt  }
0x44: {  	_ =	shalt  }
0x45: {  	_ =	shalt  }
0x46: {  	_ =	shalt  }
0x47: {  	_ =	shalt  }
0x48: {  	_ =	shalt  }
0x49: {  	_ =	shalt  }
0x4a: {  	_ =	shalt  }
0x4b: {  	_ =	shalt  }
0x4c: {  	_ =	shalt  }
0x4d: {  	_ =	shalt  }
0x4e: {  	_ =	shalt  }
0x4f: {  	_ =	shalt  }
0x50: {  	_ =	shalt  }
0x51: {  	_ =	shalt  }
0x52: {  	_ =	shalt  }
0x53: {  	_ =	shalt  }
0x54: {  	_ =	shalt  }
0x55: {  	_ =	shalt  }
0x56: {  	_ =	shalt  }
0x57: {  	_ =	shalt  }
0x58: {  	_ =	shalt  }
0x59: {  	_ =	shalt  }
0x5a: {  	_ =	shalt  }
0x5b: {  	_ =	shalt  }
0x5c: {  	_ =	shalt  }
0x5d: {  	_ =	shalt  }
0x5e: {  	_ =	shalt  }
0x5f: {  	_ =	shalt  }
0x60: {  	_ =	shalt  }
0x61: {  	_ =	shalt  }
0x62: {  	_ =	shalt  }
0x63: {  	_ =	shalt  }
0x64: {  	_ =	shalt  }
0x65: {  	_ =	shalt  }
0x66: {  	_ =	shalt  }
0x67: {  	_ =	shalt  }
0x68: {  	_ =	shalt  }
0x69: {  	_ =	shalt  }
0x6a: {  	_ =	shalt  }
0x6b: {  	_ =	shalt  }
0x6c: {  	_ =	shalt  }
0x6d: {  	_ =	shalt  }
0x6e: {  	_ =	shalt  }
0x6f: {  	_ =	shalt  }
0x70: {  	_ =	shalt  }
0x71: {  	_ =	shalt  }
0x72: {  	_ =	shalt  }
0x73: {  	_ =	shalt  }
0x74: {  	_ =	shalt  }
0x75: {  	_ =	shalt  }
0x76: {  	_ =	shalt  }
0x77: {  	_ =	shalt  }
0x78: {  	_ =	shalt  }
0x79: {  	_ =	shalt  }
0x7a: {  	_ =	shalt  }
0x7b: {  	_ =	shalt  }
0x7c: {  	_ =	shalt  }
0x7d: {  	_ =	shalt  }
0x7e: {  	_ =	shalt  }
0x7f: {  	_ =	shalt  }
0x80: {  	_ =	shalt  }
0x81: {  	_ =	shalt  }
0x82: {  	_ =	shalt  }
0x83: {  	_ =	shalt  }
0x84: {  	_ =	shalt  }
0x85: {  	_ =	shalt  }
0x86: {  	_ =	shalt  }
0x87: {  	_ =	shalt  }
.Lfunc_end0:
.L_simem_size_0:
called_computation.1_lowered:
.L_overlay_start_0:
0x88: {  	s2 =	sld [smem:$0x3FD9]  }
0x89: {  	s3 =	sld [smem:$0x3FFE];
	_ =	sdelay $0x1  }
0x8a: {  	s1 =	srdreg.scid  }
0x8b: {  	s0 =	sand.u32 $0x1, s1  }
0x8c: {  	s17 =	sshll.u32 s0, $0xA;
	s2 =	sadd.s32 s3, s2  }
0x8d: {  	s2 =	sadd.s32 s2, s17  }
0x8e: {  	[smem:$0x3FBC] =	sst s2  }
0x8f: {  	_ = 	snop  }
0x90: {  	s18 =	sld [smem:$0x3FD0];
	(tm) =	ssettm $0x1  }
0x91: {  	s19 =	sld [smem:$0x3FFB];
	_ =	sdelay $0x3  }
0x92: {  	_ =	strace s19  }
0x93: {  	s2 =	sld [smem:$0x3FFC];
	_ =	sdelay $0x3  }
0x94: {  	_ =	strace s2  }
0x95: {  	s2 =	sld [smem:$0x3FFD];
	_ =	sdelay $0x3  }
0x96: {  	_ =	strace s2  }
0x97: {  	_ =	strace $0x8FFFFFFF  }
0x98: {  	s20 =	sld [smem:$0x3FDB];
	_ =	sdelay $0x1  }
0x99: {  	s4 =	simm.s32 $_scs_section_size  }
0x9a: {  	s5 =	simm.s32 $_size__tile_overlayer_lowered;
	s6 =	simm.s32 $_tile_overlayer_lowered  }
0x9b: {  	s7 =	simm.s32 $0x1BFF;
	s21 =	sshll.u32 s6, $0x1;
	s4 =	sadd.s32 s4, s20  }
0x9c: {  	s22 =	simm.s32 $0x0;
	s5 =	sshll.u32 s5, $0x1;
	s6 =	sadd.s32 s21, s4  }
0x9d: {  	[timem:s22], [sflag:s7] =	dma.local [hbm:s6], s5  }
0x9e: {  	_ =	swait.ge [sflag:s7], s5  }
0x9f: {  	s5 =	ssub.s32 $0x0, s5;
	[sflag:s7] =	ssyncset.done $0x0  }
0xa0: {  	[sflag:s7] =	ssyncadd.s32 s5;
	_ =	sdelay $0x1  }
0xa1: {  	s23 =	simm.s32 $0x1B8B  }
0xa2: {  	_ =	swait.ge [sflag:s23], $0x1  }
0xa3: {  	[sflag:s23] =	ssyncset.done $0x0  }
0xa4: {  	[sflag:s23] =	ssyncadd.s32 $0xFFFFFFFF  }
0xa5: {  	s5 =	sld [smem:$0x0]  }
0xa6: {  	s6 =	sand.u32 $0xFFFFFFFE, s1  }
0xa7: {  	p0 =	sne.s32 s1, s6  }
0xa8: {  	s6 =	sshll.u32 @p0 s6, $0xE  }
0xa9: {  	s6 =	sadd.s32 @p0 $0x11B8D, s6;
	s7 =	sshll.u32 @p0 s5, $0x11  }
0xaa: {  	s6 =	sor.u32 @p0 s7, s6  }
0xab: {  	[sflag:s6] =	ssyncadd.remote.s32 @p0 $0x1;
	_ =	sdelay $0x1  }
0xac: {  	s6 =	simm.s32 @p0 $0x1B8D  }
0xad: {  	_ =	swait.eq @p0 [sflag:s6], $0x1  }
0xae: {  	[sflag:s6] =	ssyncadd.s32 @p0 $0xFFFFFFFF  }
0xaf: {  	s7 =	sshll.u32 @!p0 s1, $0xE  }
0xb0: {  	s7 =	sor.u32 @!p0 $0x4000, s7;
	s6 =	simm.s32 @!p0 $0x1B8D  }
0xb1: {  	s5 =	sshll.u32 @!p0 s5, $0x11;
	s7 =	sadd.s32 @!p0 $0x11B8D, s7;
	_ =	swait.eq @!p0 [sflag:s6], $0x1  }
0xb2: {  	s5 =	sor.u32 @!p0 s5, s7;
	[sflag:s6] =	ssyncadd.s32 @!p0 $0xFFFFFFFF  }
0xb3: {  	s25 =	simm.s32 $0x1B8E;
	s24 =	sld [smem:$0x3FFE];
	[sflag:s5] =	ssyncadd.remote.s32 @!p0 $0x1  }
0xb4: {  	s26 =	simm.s32 $execute0_lowered;
	[smem:$0x3FD2] =	sst s25  }
0xb5: {  	s6 =	sshll.u32 s26, $0x1;
	_ =	strace $0x80000049;
	[dreg:$0x1] =	wrdreg $0xFFFFFFFF  }
0xb6: {  	s28 =	simm.s32 $_size_execute0_lowered;
	s4 =	sadd.s32 s4, s6;
	[dreg:$0x0] =	wrdreg $0x0  }
0xb7: {  	s6 =	sshll.u32 s28, $0x1;
	[dreg:$0x2] =	wrdreg s4  }
0xb8: {  	[dreg:$0x3] =	wrdreg s6  }
0xb9: {  	[dreg:$0x4] =	wrdreg $0xC0  }
0xba: {  	_ =	task [dreg:s22], $0x5FFFF  }
0xbb: {  	[dreg:$0x1] =	wrdreg $0xFFFFFFFF  }
0xbc: {  	[dreg:$0x0] =	wrdreg $0x60  }
0xbd: {  	[dreg:$0x2] =	wrdreg s24  }
0xbe: {  	[dreg:$0x3] =	wrdreg s18  }
0xbf: {  	[dreg:$0x4] =	wrdreg $0xA8000  }
0xc0: {  	[dreg:$0x5] =	wrdreg $0xA  }
0xc1: {  	_ =	task.clear_ibuf [dreg:s22], $0x6FFFF;
	_ =	strace $0x90000049  }
0xc2: {  	s29 =	simm.s32 $0xA;
	_ =	strace $0x8000004B  }
0xc3: {  	_ =	swait.ge [sflag:s29], $0x1  }
0xc4: {  	[sflag:s29] =	ssyncadd.s32 $0xFFFFFFFF  }
0xc5: {  	_ =	strace $0x9000004B  }
0xc6: {  	_ =	sfence  }
0xc7: {  	s30 =	sld [smem:$0x0];
	_ =	sdelay $0x2  }
0xc8: {  	s31 =	sshll.u32 s1, $0xD;
	s1 =	sshrl.u32 s1, $0x2  }
0xc9: {  	s4 =	sand.u32 $0x4000, s31;
	s1 =	sadd.s32 s1, s30  }
0xca: {  	s0 =	sor.u32 s4, s0;
	s1 =	sshll.u32 s1, $0x11  }
0xcb: {  	s0 =	sor.u32 s1, s0  }
0xcc: {  	s0 =	sadd.s32 $0x8F2B, s0  }
0xcd: {  	[sflag:s0] =	ssyncadd.remote.s32 $0x1  }
0xce: {  	_ =	sfence.sel $0xFFFF  }
0xcf: {  	[dreg:$0x0] =	wrdreg $0xFFFFFFFF;
	(pc) =	sbr.abs _section_cstart, $3  }
0xd0: {  	[dreg:$0x1] =	wrdreg $0xFFFFFFFF  }
0xd1: {  	_ =	task.clear_ibuf [dreg:s22], $0x2FFFF;
	_ =	strace $0x9FFFFFFF  }
0xd2: {  	(tm) =	ssettm $0x7FFFFFFF  }
0xd3: {  	_ =	shalt  }
tec
execute0_lowered:
.L_overlay_start_1:
0x0: {  	(tag) =	ssettag $0x1  }
0x1: {  	s5 =	rddreg [dreg:$0x0]  }
0x2: {  	s12 =	rddreg [dreg:$0x1]  }
0x3: {  	s2 =	rddreg [dreg:$0x2]  }
0x4: {  	s0 =	rddreg [dreg:$0x3]  }
0x5: {  	s1 =	stileid.u32;
	s4 =	srdreg.scid;
	s3 =	simm.s32 $0x0  }
0x6: {  	s15 =	simm.s32 $0x1400;
	s16 =	simm.s32 $0x80;
	s17 =	simm.s32 $0x2800  }
0x7: {  	s18 =	simm.s32 $0x6800;
	s19 =	simm.s32 $0x1;
	s20 =	simm.s32 $0x2  }
0x8: {  	s21 =	simm.s32 $0x2700;
	s22 =	simm.s32 $0x2780;
	s23 =	simm.s32 $0x0  }
0x9: {  	s6 =	smul.u32 $0x14000, s1;
	s7 =	sand.u32 $0x1, s4;
	[smem:$0x7FF] =	sst s3  }
0xa: {  	s4 =	sadd.s32 $0x3FC00, s5;
	s11 =	sadd.s32 $0x3600, s5;
	s13 =	smul.u32 $0x50000, s1  }
0xb: {  	s29 =	sshll.u32 s1, $0x6;
	s8 =	smul.u32 $0x140000, s7;
	_ =	strace $0x8000004A  }
0xc: {  	s25 =	ssub.s32 $0x2, s7;
	s7 =	sshll.u32 s7, $0x4;
	s9 =	sshrl.u32 s6, $0x3  }
0xd: {  	s10 =	sshrl.u32 s25, $0x1;
	s26 =	sor.u32 s1, s7;
	s28 =	sshrl.u32 s13, $0x2  }
0xe: {  	s6 =	sadd.s32 s6, s8;
	s24 =	sadd.s32 s9, s5;
	s9 =	ssub.s32 s25, s10  }
0xf: {  	s30 =	smul.u32 $0x500, s26;
	s13 =	sadd.s32 s28, s2;
	s6 =	sshrl.u32 s6, $0x3  }
0x10: {  	s8 =	smax.u32 s9, $0x1;
	s13 =	sshrl.u32 s13, $0x3;
	s14 =	sadd.s32 s6, s5  }
0x11: {  	s5 =	sadd.s32 $0x67C00, s24;
	s6 =	sor.u32 $0x1C03, s29;
	s31 =	sadd.s32 $0x280, s30  }
0x12: {  	s9 =	sadd.s32 s11, s30;
	s10 =	sadd.s32 s12, s30;
	s7 =	sadd.s32 $0x8FC00, s14  }
0x13: {  	s11 =	sadd.s32 s11, s31;
	s12 =	sadd.s32 s12, s31;
	s14 =	simm.s32 $0x3  }
.LBB2_1:
0x14: {  	[spmem:s13], [sflag:s6] =	dma.local [hbm:s5], $0x2800  }
0x15: {  	_ =	swait.ge [sflag:s14], $0x2800  }
0x16: {  	[sflag:s14] =	ssyncset.done $0x0  }
0x17: {  	[sflag:s14] =	ssyncadd.s32 $0xFFFFD800  }
0x18: {  	[bflag:$0x0] =	sbarrier.arrive $0xFFFF  }
0x19: {  	[tilespmem:s3], [sflag:$0x3] =	stream.linear.gather [hbm4b:s9+s3], $0x1400, $0x38;
	[tilespmem:$0x1E800] =	vst v63  }
0x1a: {  	_ =	swait.ge [sflag:s14], $0x1400  }
0x1b: {  	[sflag:s14] =	ssyncset.done $0x0  }
0x1c: {  	[sflag:s14] =	ssyncadd.s32 $0xFFFFEC00  }
0x1d: {  	[tilespmem:s15], [sflag:$0x3] =	stream.linear.gather [hbm4b:s10+s3], $0x1400, $0x38;
	[tilespmem:$0x1E800] =	vst v63  }
0x1e: {  	_ =	swait.ge [sflag:s14], $0x1400  }
0x1f: {  	[sflag:s14] =	ssyncset.done $0x0  }
0x20: {  	[sflag:s14] =	ssyncadd.s32 $0xFFFFEC00  }
0x21: {  	[tilespmem:s17], [sflag:$0x1] =	stream.indirect.gather [hbm4b:s4+s16], $0x80, s3, s16, $0xb8;
	[tilespmem:$0x1E800] =	vst v63  }
0x22: {  	_ = 	snop  }
0x23: {  	[tilespmem:s18], [sflag:$0x2] =	stream.indirect.gather [hbm4b:s4+s16], $0x80, s16, s16, $0xb8;
	[tilespmem:$0x1E800] =	vst v63  }
0x24: {  	_ =	swait.ge [sflag:s19], $0x4000  }
0x25: {  	[sflag:s19] =	ssyncset.done $0x0  }
0x26: {  	s24 =	simm.s32 $0x1400;
	[sflag:s19] =	ssyncadd.s32 $0xFFFFC000  }
0x27: {  	[spmem:s2] =	stream.indirect.scatter.add.f32 [tilespmem:s17], [sflag:$0x3], $0x80, s24, s16, $0xb8;
	[tilespmem:$0x1E800] =	vst v63  }
0x28: {  	_ =	swait.ge [sflag:s14], $0x4000  }
0x29: {  	[sflag:s14] =	ssyncset.done $0x0  }
0x2a: {  	s30 =	simm.s32 $0x100;
	[sflag:s14] =	ssyncadd.s32 $0xFFFFC000  }
0x2b: {  	[tilespmem:s17], [sflag:$0x1] =	stream.indirect.gather [hbm4b:s4+s16], $0x80, s30, s16, $0xb8;
	[tilespmem:$0x1E800] =	vst v63  }
0x2c: {  	_ =	swait.ge [sflag:s20], $0x4000  }
0x2d: {  	[sflag:s20] =	ssyncset.done $0x0  }
0x2e: {  	s31 =	simm.s32 $0x1480;
	[sflag:s20] =	ssyncadd.s32 $0xFFFFC000  }
0x2f: {  	[spmem:s2] =	stream.indirect.scatter.add.f32 [tilespmem:s18], [sflag:$0x3], $0x80, s31, s16, $0xb8;
	[tilespmem:$0x1E800] =	vst v63  }
0x30: {  	_ =	swait.ge [sflag:s14], $0x4000  }
0x31: {  	[sflag:s14] =	ssyncset.done $0x0  }
0x32: {  	s25 =	simm.s32 $0x180;
	s24 =	simm.s32 $0x400;
	[sflag:s14] =	ssyncadd.s32 $0xFFFFC000  }
.LBB2_2:
0x33: {  	[tilespmem:s18], [sflag:$0x2] =	stream.indirect.gather [hbm4b:s4+s16], $0x80, s25, s16, $0xb8;
	[tilespmem:$0x1E800] =	vst v63  }
0x34: {  	s25 =	smov.u32 s24  }
0x35: {  	p0 =	sne.s32 s24, $0x4800;
	s24 =	sadd.s32 $0x400, s24;
	_ =	swait.ge [sflag:s19], $0x4000  }
0x36: {  	s25 =	sshra.s32 s25, $0x2;
	[sflag:s19] =	ssyncset.done $0x0  }
0x37: {  	s26 =	sadd.s32 $0x1400, s25;
	[sflag:s19] =	ssyncadd.s32 $0xFFFFC000  }
0x38: {  	[spmem:s2] =	stream.indirect.scatter.add.f32 [tilespmem:s17], [sflag:$0x3], $0x80, s26, s16, $0xb8;
	[tilespmem:$0x1E800] =	vst v63  }
0x39: {  	_ =	swait.ge [sflag:s14], $0x4000  }
0x3a: {  	[sflag:s14] =	ssyncset.done $0x0  }
0x3b: {  	s26 =	sadd.s32 $0x100, s25;
	[sflag:s14] =	ssyncadd.s32 $0xFFFFC000  }
0x3c: {  	[tilespmem:s17], [sflag:$0x1] =	stream.indirect.gather [hbm4b:s4+s16], $0x80, s26, s16, $0xb8;
	[tilespmem:$0x1E800] =	vst v63  }
0x3d: {  	_ =	swait.ge [sflag:s20], $0x4000  }
0x3e: {  	[sflag:s20] =	ssyncset.done $0x0  }
.Ltmp0:
0x3f: {  	s26 =	sadd.s32 $0x1480, s25;
	[sflag:s20] =	ssyncadd.s32 $0xFFFFC000;
	(pc) =	sbr.rel @p0 .LBB2_2-.Ltmp0, $4  }
0x40: {  	[spmem:s2] =	stream.indirect.scatter.add.f32 [tilespmem:s18], [sflag:$0x3], $0x80, s26, s16, $0xb8;
	[tilespmem:$0x1E800] =	vst v63  }
0x41: {  	_ =	swait.ge [sflag:s14], $0x4000  }
0x42: {  	[sflag:s14] =	ssyncset.done $0x0  }
0x43: {  	s25 =	sadd.s32 $0x180, s25;
	[sflag:s14] =	ssyncadd.s32 $0xFFFFC000  }
0x44: {  	[tilespmem:s18], [sflag:$0x2] =	stream.indirect.gather [hbm4b:s4+s16], $0x80, s25, s16, $0xb8;
	[tilespmem:$0x1E800] =	vst v63  }
0x45: {  	_ =	swait.ge [sflag:s19], $0x4000  }
0x46: {  	[sflag:s19] =	ssyncset.done $0x0  }
0x47: {  	[sflag:s19] =	ssyncadd.s32 $0xFFFFC000  }
0x48: {  	[spmem:s2] =	stream.indirect.scatter.add.f32 [tilespmem:s17], [sflag:$0x3], $0x80, s21, s16, $0xb8;
	[tilespmem:$0x1E800] =	vst v63  }
0x49: {  	_ =	swait.ge [sflag:s14], $0x4000  }
0x4a: {  	[sflag:s14] =	ssyncset.done $0x0  }
0x4b: {  	[sflag:s14] =	ssyncadd.s32 $0xFFFFC000  }
0x4c: {  	_ =	swait.ge [sflag:s20], $0x4000  }
0x4d: {  	[sflag:s20] =	ssyncset.done $0x0  }
0x4e: {  	[sflag:s20] =	ssyncadd.s32 $0xFFFFC000  }
0x4f: {  	[spmem:s2] =	stream.indirect.scatter.add.f32 [tilespmem:s18], [sflag:$0x3], $0x80, s22, s16, $0xb8;
	[tilespmem:$0x1E800] =	vst v63  }
0x50: {  	_ =	swait.ge [sflag:s14], $0x4000  }
0x51: {  	[sflag:s14] =	ssyncset.done $0x0  }
0x52: {  	s24 =	simm.s32 $0x0;
	[sflag:s14] =	ssyncadd.s32 $0xFFFFC000  }
0x53: {  	[tilespmem:s24], [sflag:$0x3] =	stream.linear.gather [hbm4b:s11+s24], $0x1400, $0x38;
	[tilespmem:$0x1E800] =	vst v63  }
0x54: {  	_ =	swait.ge [sflag:s14], $0x1400  }
0x55: {  	[sflag:s14] =	ssyncset.done $0x0  }
0x56: {  	[sflag:s14] =	ssyncadd.s32 $0xFFFFEC00  }
0x57: {  	[tilespmem:s15], [sflag:$0x3] =	stream.linear.gather [hbm4b:s12+s24], $0x1400, $0x38;
	[tilespmem:$0x1E800] =	vst v63  }
0x58: {  	_ =	swait.ge [sflag:s14], $0x1400  }
0x59: {  	[sflag:s14] =	ssyncset.done $0x0  }
0x5a: {  	[sflag:s14] =	ssyncadd.s32 $0xFFFFEC00  }
0x5b: {  	[tilespmem:s17], [sflag:$0x1] =	stream.indirect.gather [hbm4b:s4+s16], $0x80, s24, s16, $0xb8;
	[tilespmem:$0x1E800] =	vst v63  }
0x5c: {  	_ = 	snop  }
0x5d: {  	[tilespmem:s18], [sflag:$0x2] =	stream.indirect.gather [hbm4b:s4+s16], $0x80, s16, s16, $0xb8;
	[tilespmem:$0x1E800] =	vst v63  }
0x5e: {  	_ =	swait.ge [sflag:s19], $0x4000  }
0x5f: {  	[sflag:s19] =	ssyncset.done $0x0  }
0x60: {  	s29 =	simm.s32 $0x1400;
	[sflag:s19] =	ssyncadd.s32 $0xFFFFC000  }
0x61: {  	[spmem:s2] =	stream.indirect.scatter.add.f32 [tilespmem:s17], [sflag:$0x3], $0x80, s29, s16, $0xb8;
	[tilespmem:$0x1E800] =	vst v63  }
0x62: {  	_ =	swait.ge [sflag:s14], $0x4000  }
0x63: {  	[sflag:s14] =	ssyncset.done $0x0  }
0x64: {  	s30 =	simm.s32 $0x100;
	[sflag:s14] =	ssyncadd.s32 $0xFFFFC000  }
0x65: {  	[tilespmem:s17], [sflag:$0x1] =	stream.indirect.gather [hbm4b:s4+s16], $0x80, s30, s16, $0xb8;
	[tilespmem:$0x1E800] =	vst v63  }
0x66: {  	_ =	swait.ge [sflag:s20], $0x4000  }
0x67: {  	[sflag:s20] =	ssyncset.done $0x0  }
0x68: {  	s31 =	simm.s32 $0x1480;
	[sflag:s20] =	ssyncadd.s32 $0xFFFFC000  }
0x69: {  	[spmem:s2] =	stream.indirect.scatter.add.f32 [tilespmem:s18], [sflag:$0x3], $0x80, s31, s16, $0xb8;
	[tilespmem:$0x1E800] =	vst v63  }
0x6a: {  	_ =	swait.ge [sflag:s14], $0x4000  }
0x6b: {  	[sflag:s14] =	ssyncset.done $0x0  }
0x6c: {  	s25 =	simm.s32 $0x180;
	s24 =	simm.s32 $0x400;
	[sflag:s14] =	ssyncadd.s32 $0xFFFFC000  }
.LBB2_4:
0x6d: {  	[tilespmem:s18], [sflag:$0x2] =	stream.indirect.gather [hbm4b:s4+s16], $0x80, s25, s16, $0xb8;
	[tilespmem:$0x1E800] =	vst v63  }
0x6e: {  	s25 =	smov.u32 s24  }
0x6f: {  	p0 =	sne.s32 s24, $0x4800;
	s24 =	sadd.s32 $0x400, s24;
	_ =	swait.ge [sflag:s19], $0x4000  }
0x70: {  	s25 =	sshra.s32 s25, $0x2;
	[sflag:s19] =	ssyncset.done $0x0  }
0x71: {  	s26 =	sadd.s32 $0x1400, s25;
	[sflag:s19] =	ssyncadd.s32 $0xFFFFC000  }
0x72: {  	[spmem:s2] =	stream.indirect.scatter.add.f32 [tilespmem:s17], [sflag:$0x3], $0x80, s26, s16, $0xb8;
	[tilespmem:$0x1E800] =	vst v63  }
0x73: {  	_ =	swait.ge [sflag:s14], $0x4000  }
0x74: {  	[sflag:s14] =	ssyncset.done $0x0  }
0x75: {  	s26 =	sadd.s32 $0x100, s25;
	[sflag:s14] =	ssyncadd.s32 $0xFFFFC000  }
0x76: {  	[tilespmem:s17], [sflag:$0x1] =	stream.indirect.gather [hbm4b:s4+s16], $0x80, s26, s16, $0xb8;
	[tilespmem:$0x1E800] =	vst v63  }
0x77: {  	_ =	swait.ge [sflag:s20], $0x4000  }
0x78: {  	[sflag:s20] =	ssyncset.done $0x0  }
.Ltmp1:
0x79: {  	s26 =	sadd.s32 $0x1480, s25;
	[sflag:s20] =	ssyncadd.s32 $0xFFFFC000;
	(pc) =	sbr.rel @p0 .LBB2_4-.Ltmp1, $4  }
0x7a: {  	[spmem:s2] =	stream.indirect.scatter.add.f32 [tilespmem:s18], [sflag:$0x3], $0x80, s26, s16, $0xb8;
	[tilespmem:$0x1E800] =	vst v63  }
0x7b: {  	_ =	swait.ge [sflag:s14], $0x4000  }
0x7c: {  	[sflag:s14] =	ssyncset.done $0x0  }
0x7d: {  	s25 =	sadd.s32 $0x180, s25;
	[sflag:s14] =	ssyncadd.s32 $0xFFFFC000  }
0x7e: {  	[tilespmem:s18], [sflag:$0x2] =	stream.indirect.gather [hbm4b:s4+s16], $0x80, s25, s16, $0xb8;
	[tilespmem:$0x1E800] =	vst v63  }
0x7f: {  	_ =	swait.ge [sflag:s19], $0x4000  }
0x80: {  	[sflag:s19] =	ssyncset.done $0x0  }
0x81: {  	[sflag:s19] =	ssyncadd.s32 $0xFFFFC000  }
0x82: {  	[spmem:s2] =	stream.indirect.scatter.add.f32 [tilespmem:s17], [sflag:$0x3], $0x80, s21, s16, $0xb8;
	[tilespmem:$0x1E800] =	vst v63  }
0x83: {  	_ =	swait.ge [sflag:s14], $0x4000  }
0x84: {  	[sflag:s14] =	ssyncset.done $0x0  }
0x85: {  	[sflag:s14] =	ssyncadd.s32 $0xFFFFC000  }
0x86: {  	_ =	swait.ge [sflag:s20], $0x4000  }
0x87: {  	[sflag:s20] =	ssyncset.done $0x0  }
0x88: {  	[sflag:s20] =	ssyncadd.s32 $0xFFFFC000  }
0x89: {  	[spmem:s2] =	stream.indirect.scatter.add.f32 [tilespmem:s18], [sflag:$0x3], $0x80, s22, s16, $0xb8;
	[tilespmem:$0x1E800] =	vst v63  }
0x8a: {  	_ =	swait.ge [sflag:s14], $0x4000  }
0x8b: {  	s23 =	sadd.s32 $0x1, s23;
	[sflag:s14] =	ssyncset.done $0x0  }
0x8c: {  	p0 =	sne.s32 s23, s8;
	[sflag:s14] =	ssyncadd.s32 $0xFFFFC000  }
.Ltmp2:
0x8d: {  	[bflag:$0x0] =	sbarrier.arrive $0xFFFF;
	(pc) =	sbr.rel @p0 .LBB2_1-.Ltmp2, $4  }
0x8e: {  	[hbm:s7], [sflag:s6] =	dma.local [spmem:s13], $0x2800  }
0x8f: {  	_ =	swait.ge [sflag:s14], $0x2800  }
0x90: {  	[sflag:s14] =	ssyncset.done $0x0  }
0x91: {  	[sflag:s14] =	ssyncadd.s32 $0xFFFFD800  }
0x92: {  	_ =	sfence.sel $0x180000  }
0x93: {  	[bflag:$0x0] =	sbarrier.arrive $0xFFFF  }
0x94: {  	p0 =	sne.s32 s1, $0x0;
	_ =	strace $0x9000004A  }
0x95: {  	s0 =	sadd.s32 @!p0 $0x100000, s0;
	[bflag:$0x2] =	sbarrier.arrive $0xFFFF  }
0x96: {  	[sflag:s0] =	ssyncadd.tile.s32 @!p0 $0x1;
	_ =	shalt  }
.Lfunc_end2:
_tile_overlayer_lowered:
.L_overlay_start_2:
0x97: {  	(tag) =	ssettag $0x2  }
0x98: {  	s0 =	rddreg [dreg:$0x0];
	s2 =	stileid.u32  }
0x99: {  	s1 =	rddreg [dreg:$0x1];
	p0 =	sne.s32 s2, $0x0  }
0x9a: {  	s3 =	rddreg [dreg:$0x2];
	[bflag:$0x3] =	sbarrier.arrive $0xFFFF;
	s2 =	simm.s32 @!p0 $0x1C03  }
0x9b: {  	[timem:s3], [sflag:s2] =	dma.local @!p0 [hbm:s0], s1  }
0x9c: {  	s0 =	simm.s32 @!p0 $0x3  }
0x9d: {  	_ =	swait.ge @!p0 [sflag:s0], s1  }
0x9e: {  	s1 =	ssub.s32 @!p0 $0x0, s1;
	[sflag:s0] =	ssyncset.done @!p0 $0x0  }
0x9f: {  	[sflag:s0] =	ssyncadd.s32 @!p0 s1  }
0xa0: {  	[bflag:$0x3] =	sbarrier.arrive $0xFFFF  }
0xa1: {  	_ =	shalt  }

</sc_bundles>
